<compile_context>
chip_gen: v7x
topology: tpu7x:2x2x1
jax: 0.10.2.dev20260603
libtpu: 0.0.44.dev20260713+nightly
codegen_flags: <defaults>
</compile_context>

<pallas_src>
import functools

import jax
import jax.numpy as jnp
from jax import lax
from jax.experimental import pallas as pl
from jax.experimental.pallas import tpu as pltpu
from jax.experimental.pallas import tpu_sc as plsc

N = 10000
E = 320000
IN_CH = 128
HIDDEN = 128
HID2 = 64

NC = 2
NS = 16
NP = 10112
RPS = NP // NS
CHUNK = 128
CPS = 80
EPS = CHUNK * CPS
EP = EPS * NC * NS
HSTEP = EPS // 16
HCPS = CPS // 2



def _deg_body(dst_hbm, deg_out, idx_v, hist_v):
    c = lax.axis_index("c")
    s = lax.axis_index("s")
    pltpu.sync_copy(dst_hbm.at[c, s], idx_v)

    def zero_body(i, carry):
        hist_v[pl.ds(i * 16, 16)] = jnp.zeros((16,), jnp.float32)
        return carry

    lax.fori_loop(0, NP // 16, zero_body, 0)

    ones = jnp.ones((16,), jnp.float32)

    def hist_body(i, carry):
        idx16 = idx_v[pl.ds(i * 16, 16)]
        plsc.addupdate_scatter(hist_v, [idx16], ones)
        return carry

    lax.fori_loop(0, HSTEP, hist_body, 0)
    pltpu.sync_copy(hist_v, deg_out.at[c, s])


_SC_PARAMS = pltpu.CompilerParams(needs_layout_passes=False,
                                  use_tc_tiling_on_sc=False)


def _make_deg_kernel():
    return pl.kernel(
        _deg_body,
        out_type=jax.ShapeDtypeStruct((NC, NS, NP), jnp.float32),
        mesh=plsc.VectorSubcoreMesh(core_axis_name="c", subcore_axis_name="s"),
        scratch_types=[
            pltpu.VMEM((EPS,), jnp.int32),
            pltpu.VMEM((NP,), jnp.float32),
        ],
        compiler_params=_SC_PARAMS,
    )


def _scatter_body(g_hbm, src_hbm, dst_hbm, zeros_hbm, s_out,
                  idx_s, idx_d, rows0, rows1, acc, sem0, sem1):
    c = lax.axis_index("c")
    s = lax.axis_index("s")
    pltpu.sync_copy(zeros_hbm.at[pl.ds(s * RPS, RPS)],
                    acc.at[pl.ds(s * RPS, RPS)])
    plsc.subcore_barrier()

    for h in range(CPS // HCPS):
        pltpu.sync_copy(src_hbm.at[c, s, pl.ds(h * HCPS, HCPS)], idx_s)
        pltpu.sync_copy(dst_hbm.at[c, s, pl.ds(h * HCPS, HCPS)], idx_d)
        pltpu.async_copy(g_hbm.at[idx_s.at[0]], rows0, sem0)
        pltpu.async_copy(g_hbm.at[idx_s.at[1]], rows1, sem1)

        def chunk_body(i, carry):
            j0 = 2 * i
            j1 = j0 + 1
            pltpu.make_async_copy(g_hbm.at[idx_s.at[0]], rows0, sem0).wait()
            pltpu.sync_copy(rows0, acc.at[idx_d.at[j0]], add=True)

            @pl.when(j1 + 1 < HCPS)
            def _():
                pltpu.async_copy(g_hbm.at[idx_s.at[j1 + 1]], rows0, sem0)

            pltpu.make_async_copy(g_hbm.at[idx_s.at[0]], rows1, sem1).wait()
            pltpu.sync_copy(rows1, acc.at[idx_d.at[j1]], add=True)

            @pl.when(j1 + 2 < HCPS)
            def _():
                pltpu.async_copy(g_hbm.at[idx_s.at[j1 + 2]], rows1, sem1)

            return carry

        lax.fori_loop(0, HCPS // 2, chunk_body, 0)
    plsc.subcore_barrier()
    pltpu.sync_copy(acc.at[pl.ds(s * RPS, RPS)],
                    s_out.at[c, pl.ds(s * RPS, RPS)])


def _make_scatter_kernel(d):
    return pl.kernel(
        functools.partial(_scatter_body),
        out_type=jax.ShapeDtypeStruct((NC, NP, d), jnp.float32),
        mesh=plsc.VectorSubcoreMesh(core_axis_name="c", subcore_axis_name="s"),
        scratch_types=[
            pltpu.VMEM((HCPS, CHUNK), jnp.int32),
            pltpu.VMEM((HCPS, CHUNK), jnp.int32),
            pltpu.VMEM((CHUNK, d), jnp.float32),
            pltpu.VMEM((CHUNK, d), jnp.float32),
            pltpu.VMEM_SHARED((NP, d), jnp.float32),
            pltpu.SemaphoreType.DMA,
            pltpu.SemaphoreType.DMA,
        ],
        compiler_params=_SC_PARAMS,
    )



def _tc_pre_body(xp_ref, w1_ref, degt_ref, g1_ref):
    deg = jnp.sum(degt_ref[...], axis=1, keepdims=True) + 1.0
    dinv = lax.rsqrt(deg)
    h = lax.dot_general(xp_ref[...], w1_ref[...], (((1,), (1,)), ((), ())),
                        preferred_element_type=jnp.float32)
    g1_ref[...] = h * dinv


def _tc_mid_body(s1_ref, g1_ref, degt_ref, w2_ref, b1_ref, g2_ref):
    deg = jnp.sum(degt_ref[...], axis=1, keepdims=True) + 1.0
    dinv = lax.rsqrt(deg)
    agg = dinv * (s1_ref[0] + s1_ref[1] + g1_ref[...]) + b1_ref[...]
    h1 = jnp.maximum(agg, 0.0)
    h2 = lax.dot_general(h1, w2_ref[...], (((1,), (1,)), ((), ())),
                         preferred_element_type=jnp.float32)
    g2_ref[...] = h2 * dinv


def _tc_post_body(s2_ref, g2_ref, degt_ref, b2_ref, wh_ref, bh_ref, out_ref):
    deg = jnp.sum(degt_ref[...], axis=1, keepdims=True) + 1.0
    dinv = lax.rsqrt(deg)
    agg = dinv * (s2_ref[0] + s2_ref[1] + g2_ref[...]) + b2_ref[...]
    h2 = jnp.maximum(agg, 0.0)
    h2b = h2.astype(jnp.bfloat16).astype(jnp.float32)
    whb = wh_ref[...].astype(jnp.bfloat16).astype(jnp.float32)
    out_ref[...] = jnp.sum(h2b * whb, axis=1, keepdims=True) + bh_ref[...]



def kernel(x, edge_index, W1, b1, W2, b2, Wh, bh):
    f32 = jnp.float32
    src = edge_index[0]
    dst = edge_index[1]
    pad = N + jnp.arange(EP - E, dtype=jnp.int32) % (NP - N)
    src_p = jnp.concatenate([src, pad]).reshape(NC, NS, CPS, CHUNK)
    dst_p = jnp.concatenate([dst, pad])
    dst_h = dst_p.reshape(NC, NS, EPS)
    dst_c = dst_p.reshape(NC, NS, CPS, CHUNK)
    xp = jnp.pad(x, ((0, NP - N), (0, 0)))

    deg_parts = _make_deg_kernel()(dst_h)
    degt = deg_parts.reshape(NC * NS, NP).T

    g1 = pl.pallas_call(
        _tc_pre_body,
        out_shape=jax.ShapeDtypeStruct((NP, HIDDEN), f32),
    )(xp, W1, degt)

    s1 = _make_scatter_kernel(HIDDEN)(
        g1, src_p, dst_c, jnp.zeros((NP, HIDDEN), f32))

    g2 = pl.pallas_call(
        _tc_mid_body,
        out_shape=jax.ShapeDtypeStruct((NP, HID2), f32),
    )(s1, g1, degt, W2, b1.reshape(1, HIDDEN))

    s2 = _make_scatter_kernel(HID2)(
        g2, src_p, dst_c, jnp.zeros((NP, HID2), f32))

    out = pl.pallas_call(
        _tc_post_body,
        out_shape=jax.ShapeDtypeStruct((NP, 1), f32),
    )(s2, g2, degt, b2.reshape(1, HID2), Wh, bh.reshape(1, 1))

    return out[:N, 0]

# --- scband reference (transcript-rebuilt; emitter-appended) ---
"""Pipeline reference for scband-infection-predictor-32701880992059 (READ-ONLY COPY).

The authoritative reference and input builder live on the scoring server;
editing this copy changes nothing except your own understanding.
"""

import jax, jax.numpy as jnp
import numpy as np

N = 10000
E = 320000
IN_CH = 128
HIDDEN = 128
HID2 = HIDDEN // 2


def gcn_conv(x, src, dst, W, b, num_nodes):
    # PyG-style GCNConv: add self-loops, symmetric normalization, linear, scatter-add, bias
    loop = jnp.arange(num_nodes, dtype=src.dtype)
    s = jnp.concatenate([src, loop])
    d = jnp.concatenate([dst, loop])
    deg = jnp.zeros((num_nodes,), dtype=x.dtype).at[d].add(1.0)
    dinv = jnp.where(deg > 0, jax.lax.rsqrt(deg), 0.0)
    norm = dinv[s] * dinv[d]
    h = x @ W.T
    msg = h[s] * norm[:, None]
    out = jnp.zeros((num_nodes, h.shape[1]), dtype=h.dtype).at[d].add(msg)
    return out + b


def setup_inputs(seed: int = 0) -> dict:
    key = jax.random.key(seed)
    ks = jax.random.split(key, 8)
    x = jax.random.normal(ks[0], (N, IN_CH), dtype=jnp.float32)
    edge_index = jax.random.randint(ks[1], (2, E), 0, N, dtype=jnp.int32)
    # Glorot-ish init for learned params
    W1 = jax.random.normal(ks[2], (HIDDEN, IN_CH), dtype=jnp.float32) * (1.0 / np.sqrt(IN_CH))
    b1 = jnp.zeros((HIDDEN,), dtype=jnp.float32)
    W2 = jax.random.normal(ks[3], (HID2, HIDDEN), dtype=jnp.float32) * (1.0 / np.sqrt(HIDDEN))
    b2 = jnp.zeros((HID2,), dtype=jnp.float32)
    Wh = jax.random.normal(ks[4], (1, HID2), dtype=jnp.float32) * (1.0 / np.sqrt(HID2))
    bh = jnp.zeros((1,), dtype=jnp.float32)
    return {"x": x, "edge_index": edge_index, "W1": W1, "b1": b1, "W2": W2, "b2": b2, "Wh": Wh, "bh": bh}


def reference(x, edge_index, W1, b1, W2, b2, Wh, bh):
    src = edge_index[0]
    dst = edge_index[1]
    h = gcn_conv(x, src, dst, W1, b1, N)
    h = jax.nn.relu(h)
    # dropout p=0.0 / eval mode -> identity
    h = gcn_conv(h, src, dst, W2, b2, N)
    h = jax.nn.relu(h)
    logits = (h @ Wh.T + bh).squeeze(-1)
    return logits

if __name__ == "__main__":
    import jax
    _d = setup_inputs()
    print(jax.jit(kernel)(*tuple(_d.values())))

</pallas_src>

<mosaic_0001>
#map = affine_map<(d0, d1) -> (0, 0, 0)>
module attributes {stable_mosaic.version = 14 : i64} {
  func.func @_deg_body(%arg0: i32, %arg1: i32, %arg2: memref<2x16x10240xi32, #tpu.memory_space<hbm>>, %arg3: memref<2x16x10112xf32, #tpu.memory_space<hbm>>, %arg4: memref<10240xi32, #tpu.memory_space<vmem>>, %arg5: memref<10112xf32, #tpu.memory_space<vmem>>) attributes {dimension_semantics = [#tpu.dimension_semantics<core_parallel>, #tpu.dimension_semantics<subcore_parallel>], iteration_bounds = array<i64: 2, 16>, scalar_prefetch = 0 : i64, scratch_operands = 2 : i64, tpu.core_type = #tpu.core_type<sc_vector_subcore>, window_params = [{transform_indices = #map}, {transform_indices = #map}]} {
    "tpu.region"() ({
      %run_scoped3A = tpu.sem_alloc : memref<!tpu.dma_semaphore, #tpu.memory_space<semaphore_mem>>
      %dma_start3A = arith.constant 0 : i32
      %dma_start3A_12 = tpu.memref_slice %arg2[%arg0, %arg1, %dma_start3A] : memref<2x16x10240xi32, #tpu.memory_space<hbm>> -> memref<1x1x10240xi32, #tpu.memory_space<hbm>>
      %dma_start3A_13 = tpu.memref_squeeze %dma_start3A_12 : memref<1x1x10240xi32, #tpu.memory_space<hbm>> -> memref<10240xi32, #tpu.memory_space<hbm>>
      %dma_start3A_14 = arith.constant 0 : i32
      %dma_start3A_15 = tpu.memref_slice %arg2[%arg0, %arg1, %dma_start3A_14] : memref<2x16x10240xi32, #tpu.memory_space<hbm>> -> memref<1x1x10240xi32, #tpu.memory_space<hbm>>
      %dma_start3A_16 = tpu.memref_squeeze %dma_start3A_15 : memref<1x1x10240xi32, #tpu.memory_space<hbm>> -> memref<10240xi32, #tpu.memory_space<hbm>>
      tpu.enqueue_dma source(%dma_start3A_16 : memref<10240xi32, #tpu.memory_space<hbm>>) target(%arg4 : memref<10240xi32, #tpu.memory_space<vmem>>) target_semaphore(%run_scoped3A : memref<!tpu.dma_semaphore, #tpu.memory_space<semaphore_mem>>)
      %dma_wait3A = arith.constant 0 : i32
      %dma_wait3A_17 = tpu.memref_slice %arg2[%arg0, %arg1, %dma_wait3A] : memref<2x16x10240xi32, #tpu.memory_space<hbm>> -> memref<1x1x10240xi32, #tpu.memory_space<hbm>>
      %dma_wait3A_18 = tpu.memref_squeeze %dma_wait3A_17 : memref<1x1x10240xi32, #tpu.memory_space<hbm>> -> memref<10240xi32, #tpu.memory_space<hbm>>
      %dma_wait3A_19 = arith.constant 0 : i32
      %dma_wait3A_20 = tpu.memref_slice %arg2[%arg0, %arg1, %dma_wait3A_19] : memref<2x16x10240xi32, #tpu.memory_space<hbm>> -> memref<1x1x10240xi32, #tpu.memory_space<hbm>>
      %dma_wait3A_21 = tpu.memref_squeeze %dma_wait3A_20 : memref<1x1x10240xi32, #tpu.memory_space<hbm>> -> memref<10240xi32, #tpu.memory_space<hbm>>
      tpu.wait_dma2 semaphore(%run_scoped3A : memref<!tpu.dma_semaphore, #tpu.memory_space<semaphore_mem>>) src(%dma_wait3A_21 : memref<10240xi32, #tpu.memory_space<hbm>>) dst(%arg4 : memref<10240xi32, #tpu.memory_space<vmem>>)
      tpu.yield
    }) : () -> ()
    %scan3A = arith.constant 0 : i32
    %scan3A_0 = arith.constant 0 : i32
    %scan3A_1 = arith.constant 632 : i32
    %scan3A_2 = arith.addi %scan3A_0, %scan3A_1 : i32
    %scan3A_3 = arith.constant 1 : i32
    scf.for %scan3A_12 = %scan3A_0 to %scan3A_2 step %scan3A_3  : i32 {
      %broadcast_in_dim3A_13 = arith.constant 0.000000e+00 : f32
      %broadcast_in_dim3A_14 = vector.broadcast %broadcast_in_dim3A_13 : f32 to vector<16xf32>
      %mul3A = arith.constant 16 : i32
      %mul3A_15 = arith.muli %scan3A_12, %mul3A : i32
      %swap3A = arith.index_cast %mul3A_15 : i32 to index
      %swap3A_16 = tpu.vector_load %arg5[%swap3A] {strides = array<i32>} : memref<10112xf32, #tpu.memory_space<vmem>>, vector<16xf32>,
      tpu.vector_store %arg5[%swap3A], %broadcast_in_dim3A_14 {strides = array<i32>} : memref<10112xf32, #tpu.memory_space<vmem>>, vector<16xf32>,
    }
    %scan3A_4 = arith.constant 632 : i32
    %broadcast_in_dim3A = arith.constant 1.000000e+00 : f32
    %broadcast_in_dim3A_5 = vector.broadcast %broadcast_in_dim3A : f32 to vector<16xf32>
    %scan3A_6 = arith.constant 0 : i32
    %scan3A_7 = arith.constant 0 : i32
    %scan3A_8 = arith.constant 640 : i32
    %scan3A_9 = arith.addi %scan3A_7, %scan3A_8 : i32
    %scan3A_10 = arith.constant 1 : i32
    scf.for %scan3A_12 = %scan3A_7 to %scan3A_9 step %scan3A_10  : i32 {
      %mul3A = arith.constant 16 : i32
      %mul3A_13 = arith.muli %scan3A_12, %mul3A : i32
      %get3A = arith.index_cast %mul3A_13 : i32 to index
      %get3A_14 = tpu.vector_load %arg4[%get3A] {strides = array<i32>} : memref<10240xi32, #tpu.memory_space<vmem>>, vector<16xi32>,
      tpu.vector_store_idx %arg5[%get3A_14], %broadcast_in_dim3A_5 {add = true} : memref<10112xf32, #tpu.memory_space<vmem>>[vector<16xi32>], vector<16xf32>,
    }
    %scan3A_11 = arith.constant 640 : i32
    "tpu.region"() ({
      %run_scoped3A = tpu.sem_alloc : memref<!tpu.dma_semaphore, #tpu.memory_space<semaphore_mem>>
      %dma_start3A = arith.constant 0 : i32
      %dma_start3A_12 = tpu.memref_slice %arg3[%arg0, %arg1, %dma_start3A] : memref<2x16x10112xf32, #tpu.memory_space<hbm>> -> memref<1x1x10112xf32, #tpu.memory_space<hbm>>
      %dma_start3A_13 = tpu.memref_squeeze %dma_start3A_12 : memref<1x1x10112xf32, #tpu.memory_space<hbm>> -> memref<10112xf32, #tpu.memory_space<hbm>>
      %dma_start3A_14 = arith.constant 0 : i32
      %dma_start3A_15 = tpu.memref_slice %arg3[%arg0, %arg1, %dma_start3A_14] : memref<2x16x10112xf32, #tpu.memory_space<hbm>> -> memref<1x1x10112xf32, #tpu.memory_space<hbm>>
      %dma_start3A_16 = tpu.memref_squeeze %dma_start3A_15 : memref<1x1x10112xf32, #tpu.memory_space<hbm>> -> memref<10112xf32, #tpu.memory_space<hbm>>
      tpu.enqueue_dma source(%arg5 : memref<10112xf32, #tpu.memory_space<vmem>>) target(%dma_start3A_16 : memref<10112xf32, #tpu.memory_space<hbm>>) target_semaphore(%run_scoped3A : memref<!tpu.dma_semaphore, #tpu.memory_space<semaphore_mem>>)
      %dma_wait3A = arith.constant 0 : i32
      %dma_wait3A_17 = tpu.memref_slice %arg3[%arg0, %arg1, %dma_wait3A] : memref<2x16x10112xf32, #tpu.memory_space<hbm>> -> memref<1x1x10112xf32, #tpu.memory_space<hbm>>
      %dma_wait3A_18 = tpu.memref_squeeze %dma_wait3A_17 : memref<1x1x10112xf32, #tpu.memory_space<hbm>> -> memref<10112xf32, #tpu.memory_space<hbm>>
      %dma_wait3A_19 = arith.constant 0 : i32
      %dma_wait3A_20 = tpu.memref_slice %arg3[%arg0, %arg1, %dma_wait3A_19] : memref<2x16x10112xf32, #tpu.memory_space<hbm>> -> memref<1x1x10112xf32, #tpu.memory_space<hbm>>
      %dma_wait3A_21 = tpu.memref_squeeze %dma_wait3A_20 : memref<1x1x10112xf32, #tpu.memory_space<hbm>> -> memref<10112xf32, #tpu.memory_space<hbm>>
      tpu.wait_dma2 semaphore(%run_scoped3A : memref<!tpu.dma_semaphore, #tpu.memory_space<semaphore_mem>>) src(%arg5 : memref<10112xf32, #tpu.memory_space<vmem>>) dst(%dma_wait3A_21 : memref<10112xf32, #tpu.memory_space<hbm>>)
      tpu.yield
    }) : () -> ()
    return
  }
}

#map = affine_map<(d0, d1) -> (0, 0)>
#map1 = affine_map<(d0, d1) -> (0, 0, 0, 0)>
#map2 = affine_map<(d0, d1) -> (0, 0, 0)>
module attributes {stable_mosaic.version = 14 : i64} {
  func.func @_scatter_body(%arg0: i32, %arg1: i32, %arg2: memref<10112x128xf32, #tpu.memory_space<hbm>>, %arg3: memref<2x16x80x128xi32, #tpu.memory_space<hbm>>, %arg4: memref<2x16x80x128xi32, #tpu.memory_space<hbm>>, %arg5: memref<10112x128xf32, #tpu.memory_space<hbm>>, %arg6: memref<2x10112x128xf32, #tpu.memory_space<hbm>>, %arg7: memref<40x128xi32, #tpu.memory_space<vmem>>, %arg8: memref<40x128xi32, #tpu.memory_space<vmem>>, %arg9: memref<128x128xf32, #tpu.memory_space<vmem>>, %arg10: memref<128x128xf32, #tpu.memory_space<vmem>>, %arg11: memref<10112x128xf32, #tpu.memory_space<vmem_shared>>, %arg12: memref<!tpu.dma_semaphore, #tpu.memory_space<semaphore_mem>>, %arg13: memref<!tpu.dma_semaphore, #tpu.memory_space<semaphore_mem>>) attributes {dimension_semantics = [#tpu.dimension_semantics<core_parallel>, #tpu.dimension_semantics<subcore_parallel>], iteration_bounds = array<i64: 2, 16>, scalar_prefetch = 0 : i64, scratch_operands = 7 : i64, tpu.core_type = #tpu.core_type<sc_vector_subcore>, window_params = [{transform_indices = #map}, {transform_indices = #map1}, {transform_indices = #map1}, {transform_indices = #map}, {transform_indices = #map2}]} {
    %mul3A = arith.constant 632 : i32
    %mul3A_0 = arith.muli %arg1, %mul3A : i32
    %mul3A_1 = arith.constant 632 : i32
    %mul3A_2 = arith.muli %arg1, %mul3A_1 : i32
    "tpu.region"() ({
      %run_scoped3A = tpu.sem_alloc : memref<!tpu.dma_semaphore, #tpu.memory_space<semaphore_mem>>
      %dma_start3A_46 = arith.constant 0 : i32
      %dma_start3A_47 = tpu.memref_slice %arg11[%mul3A_2, %dma_start3A_46] : memref<10112x128xf32, #tpu.memory_space<vmem_shared>> -> memref<632x128xf32, #tpu.memory_space<vmem_shared>>
      %dma_start3A_48 = arith.constant 0 : i32
      %dma_start3A_49 = tpu.memref_slice %arg5[%mul3A_0, %dma_start3A_48] : memref<10112x128xf32, #tpu.memory_space<hbm>> -> memref<632x128xf32, #tpu.memory_space<hbm>>
      tpu.enqueue_dma source(%dma_start3A_49 : memref<632x128xf32, #tpu.memory_space<hbm>>) target(%dma_start3A_47 : memref<632x128xf32, #tpu.memory_space<vmem_shared>>) target_semaphore(%run_scoped3A : memref<!tpu.dma_semaphore, #tpu.memory_space<semaphore_mem>>)
      %dma_wait3A = arith.constant 0 : i32
      %dma_wait3A_50 = tpu.memref_slice %arg11[%mul3A_2, %dma_wait3A] : memref<10112x128xf32, #tpu.memory_space<vmem_shared>> -> memref<632x128xf32, #tpu.memory_space<vmem_shared>>
      %dma_wait3A_51 = arith.constant 0 : i32
      %dma_wait3A_52 = tpu.memref_slice %arg5[%mul3A_0, %dma_wait3A_51] : memref<10112x128xf32, #tpu.memory_space<hbm>> -> memref<632x128xf32, #tpu.memory_space<hbm>>
      tpu.wait_dma2 semaphore(%run_scoped3A : memref<!tpu.dma_semaphore, #tpu.memory_space<semaphore_mem>>) src(%dma_wait3A_52 : memref<632x128xf32, #tpu.memory_space<hbm>>) dst(%dma_wait3A_50 : memref<632x128xf32, #tpu.memory_space<vmem_shared>>)
      tpu.yield
    }) : () -> ()
    %barrier3A = arith.constant 0 : index
    tpu.barrier barrier_id(%barrier3A)
    "tpu.region"() ({
      %run_scoped3A = tpu.sem_alloc : memref<!tpu.dma_semaphore, #tpu.memory_space<semaphore_mem>>
      %dma_start3A_46 = arith.constant 0 : i32
      %dma_start3A_47 = arith.constant 0 : i32
      %dma_start3A_48 = tpu.memref_slice %arg3[%arg0, %arg1, %dma_start3A_46, %dma_start3A_47] : memref<2x16x80x128xi32, #tpu.memory_space<hbm>> -> memref<1x1x40x128xi32, #tpu.memory_space<hbm>>
      %dma_start3A_49 = tpu.memref_squeeze %dma_start3A_48 : memref<1x1x40x128xi32, #tpu.memory_space<hbm>> -> memref<40x128xi32, #tpu.memory_space<hbm>>
      %dma_start3A_50 = arith.constant 0 : i32
      %dma_start3A_51 = arith.constant 0 : i32
      %dma_start3A_52 = tpu.memref_slice %arg3[%arg0, %arg1, %dma_start3A_50, %dma_start3A_51] : memref<2x16x80x128xi32, #tpu.memory_space<hbm>> -> memref<1x1x40x128xi32, #tpu.memory_space<hbm>>
      %dma_start3A_53 = tpu.memref_squeeze %dma_start3A_52 : memref<1x1x40x128xi32, #tpu.memory_space<hbm>> -> memref<40x128xi32, #tpu.memory_space<hbm>>
      tpu.enqueue_dma source(%dma_start3A_53 : memref<40x128xi32, #tpu.memory_space<hbm>>) target(%arg7 : memref<40x128xi32, #tpu.memory_space<vmem>>) target_semaphore(%run_scoped3A : memref<!tpu.dma_semaphore, #tpu.memory_space<semaphore_mem>>)
      %dma_wait3A = arith.constant 0 : i32
      %dma_wait3A_54 = arith.constant 0 : i32
      %dma_wait3A_55 = tpu.memref_slice %arg3[%arg0, %arg1, %dma_wait3A, %dma_wait3A_54] : memref<2x16x80x128xi32, #tpu.memory_space<hbm>> -> memref<1x1x40x128xi32, #tpu.memory_space<hbm>>
      %dma_wait3A_56 = tpu.memref_squeeze %dma_wait3A_55 : memref<1x1x40x128xi32, #tpu.memory_space<hbm>> -> memref<40x128xi32, #tpu.memory_space<hbm>>
      %dma_wait3A_57 = arith.constant 0 : i32
      %dma_wait3A_58 = arith.constant 0 : i32
      %dma_wait3A_59 = tpu.memref_slice %arg3[%arg0, %arg1, %dma_wait3A_57, %dma_wait3A_58] : memref<2x16x80x128xi32, #tpu.memory_space<hbm>> -> memref<1x1x40x128xi32, #tpu.memory_space<hbm>>
      %dma_wait3A_60 = tpu.memref_squeeze %dma_wait3A_59 : memref<1x1x40x128xi32, #tpu.memory_space<hbm>> -> memref<40x128xi32, #tpu.memory_space<hbm>>
      tpu.wait_dma2 semaphore(%run_scoped3A : memref<!tpu.dma_semaphore, #tpu.memory_space<semaphore_mem>>) src(%dma_wait3A_60 : memref<40x128xi32, #tpu.memory_space<hbm>>) dst(%arg7 : memref<40x128xi32, #tpu.memory_space<vmem>>)
      tpu.yield
    }) : () -> ()
    "tpu.region"() ({
      %run_scoped3A = tpu.sem_alloc : memref<!tpu.dma_semaphore, #tpu.memory_space<semaphore_mem>>
      %dma_start3A_46 = arith.constant 0 : i32
      %dma_start3A_47 = arith.constant 0 : i32
      %dma_start3A_48 = tpu.memref_slice %arg4[%arg0, %arg1, %dma_start3A_46, %dma_start3A_47] : memref<2x16x80x128xi32, #tpu.memory_space<hbm>> -> memref<1x1x40x128xi32, #tpu.memory_space<hbm>>
      %dma_start3A_49 = tpu.memref_squeeze %dma_start3A_48 : memref<1x1x40x128xi32, #tpu.memory_space<hbm>> -> memref<40x128xi32, #tpu.memory_space<hbm>>
      %dma_start3A_50 = arith.constant 0 : i32
      %dma_start3A_51 = arith.constant 0 : i32
      %dma_start3A_52 = tpu.memref_slice %arg4[%arg0, %arg1, %dma_start3A_50, %dma_start3A_51] : memref<2x16x80x128xi32, #tpu.memory_space<hbm>> -> memref<1x1x40x128xi32, #tpu.memory_space<hbm>>
      %dma_start3A_53 = tpu.memref_squeeze %dma_start3A_52 : memref<1x1x40x128xi32, #tpu.memory_space<hbm>> -> memref<40x128xi32, #tpu.memory_space<hbm>>
      tpu.enqueue_dma source(%dma_start3A_53 : memref<40x128xi32, #tpu.memory_space<hbm>>) target(%arg8 : memref<40x128xi32, #tpu.memory_space<vmem>>) target_semaphore(%run_scoped3A : memref<!tpu.dma_semaphore, #tpu.memory_space<semaphore_mem>>)
      %dma_wait3A = arith.constant 0 : i32
      %dma_wait3A_54 = arith.constant 0 : i32
      %dma_wait3A_55 = tpu.memref_slice %arg4[%arg0, %arg1, %dma_wait3A, %dma_wait3A_54] : memref<2x16x80x128xi32, #tpu.memory_space<hbm>> -> memref<1x1x40x128xi32, #tpu.memory_space<hbm>>
      %dma_wait3A_56 = tpu.memref_squeeze %dma_wait3A_55 : memref<1x1x40x128xi32, #tpu.memory_space<hbm>> -> memref<40x128xi32, #tpu.memory_space<hbm>>
      %dma_wait3A_57 = arith.constant 0 : i32
      %dma_wait3A_58 = arith.constant 0 : i32
      %dma_wait3A_59 = tpu.memref_slice %arg4[%arg0, %arg1, %dma_wait3A_57, %dma_wait3A_58] : memref<2x16x80x128xi32, #tpu.memory_space<hbm>> -> memref<1x1x40x128xi32, #tpu.memory_space<hbm>>
      %dma_wait3A_60 = tpu.memref_squeeze %dma_wait3A_59 : memref<1x1x40x128xi32, #tpu.memory_space<hbm>> -> memref<40x128xi32, #tpu.memory_space<hbm>>
      tpu.wait_dma2 semaphore(%run_scoped3A : memref<!tpu.dma_semaphore, #tpu.memory_space<semaphore_mem>>) src(%dma_wait3A_60 : memref<40x128xi32, #tpu.memory_space<hbm>>) dst(%arg8 : memref<40x128xi32, #tpu.memory_space<vmem>>)
      tpu.yield
    }) : () -> ()
    %dma_start3A = arith.constant 0 : i32
    %dma_start3A_3 = arith.constant 0 : i32
    %dma_start3A_4 = tpu.memref_slice %arg7[%dma_start3A, %dma_start3A_3] : memref<40x128xi32, #tpu.memory_space<vmem>> -> memref<1x128xi32, #tpu.memory_space<vmem>>
    %dma_start3A_5 = tpu.memref_squeeze %dma_start3A_4 : memref<1x128xi32, #tpu.memory_space<vmem>> -> memref<128xi32, #tpu.memory_space<vmem>>
    %dma_start3A_6 = arith.constant 0 : i32
    %dma_start3A_7 = arith.constant 0 : i32
    %dma_start3A_8 = tpu.memref_slice %arg2[%dma_start3A_6, %dma_start3A_7] : memref<10112x128xf32, #tpu.memory_space<hbm>> -> memref<10112x128xf32, #tpu.memory_space<hbm>>
    tpu.enqueue_indirect_dma source(%dma_start3A_8 : memref<10112x128xf32, #tpu.memory_space<hbm>>) target(%arg9 : memref<128x128xf32, #tpu.memory_space<vmem>>) offsets(%dma_start3A_5 : memref<128xi32, #tpu.memory_space<vmem>>) semaphore(%arg12 : memref<!tpu.dma_semaphore, #tpu.memory_space<semaphore_mem>>)
    %dma_start3A_9 = arith.constant 1 : i32
    %dma_start3A_10 = arith.constant 0 : i32
    %dma_start3A_11 = tpu.memref_slice %arg7[%dma_start3A_9, %dma_start3A_10] : memref<40x128xi32, #tpu.memory_space<vmem>> -> memref<1x128xi32, #tpu.memory_space<vmem>>
    %dma_start3A_12 = tpu.memref_squeeze %dma_start3A_11 : memref<1x128xi32, #tpu.memory_space<vmem>> -> memref<128xi32, #tpu.memory_space<vmem>>
    %dma_start3A_13 = arith.constant 0 : i32
    %dma_start3A_14 = arith.constant 0 : i32
    %dma_start3A_15 = tpu.memref_slice %arg2[%dma_start3A_13, %dma_start3A_14] : memref<10112x128xf32, #tpu.memory_space<hbm>> -> memref<10112x128xf32, #tpu.memory_space<hbm>>
    tpu.enqueue_indirect_dma source(%dma_start3A_15 : memref<10112x128xf32, #tpu.memory_space<hbm>>) target(%arg10 : memref<128x128xf32, #tpu.memory_space<vmem>>) offsets(%dma_start3A_12 : memref<128xi32, #tpu.memory_space<vmem>>) semaphore(%arg13 : memref<!tpu.dma_semaphore, #tpu.memory_space<semaphore_mem>>)
    %scan3A = arith.constant 0 : i32
    %scan3A_16 = arith.constant 0 : i32
    %scan3A_17 = arith.constant 20 : i32
    %scan3A_18 = arith.addi %scan3A_16, %scan3A_17 : i32
    %scan3A_19 = arith.constant 1 : i32
    scf.for %scan3A_46 = %scan3A_16 to %scan3A_18 step %scan3A_19  : i32 {
      %mul3A_47 = arith.constant 2 : i32
      %mul3A_48 = arith.muli %mul3A_47, %scan3A_46 : i32
      %add3A = arith.constant 1 : i32
      %add3A_49 = arith.addi %mul3A_48, %add3A : i32
      %dma_wait3A = arith.constant 0 : i32
      %dma_wait3A_50 = arith.constant 0 : i32
      %dma_wait3A_51 = tpu.memref_slice %arg7[%dma_wait3A, %dma_wait3A_50] : memref<40x128xi32, #tpu.memory_space<vmem>> -> memref<1x128xi32, #tpu.memory_space<vmem>>
      %dma_wait3A_52 = tpu.memref_squeeze %dma_wait3A_51 : memref<1x128xi32, #tpu.memory_space<vmem>> -> memref<128xi32, #tpu.memory_space<vmem>>
      %dma_wait3A_53 = arith.constant 0 : i32
      %dma_wait3A_54 = arith.constant 0 : i32
      %dma_wait3A_55 = tpu.memref_slice %arg2[%dma_wait3A_53, %dma_wait3A_54] : memref<10112x128xf32, #tpu.memory_space<hbm>> -> memref<10112x128xf32, #tpu.memory_space<hbm>>
      tpu.wait_indirect_dma semaphore(%arg12 : memref<!tpu.dma_semaphore, #tpu.memory_space<semaphore_mem>>) src(%dma_wait3A_55 : memref<10112x128xf32, #tpu.memory_space<hbm>>) dst(%arg9 : memref<128x128xf32, #tpu.memory_space<vmem>>)
      "tpu.region"() ({
        %run_scoped3A = tpu.sem_alloc : memref<!tpu.dma_semaphore, #tpu.memory_space<semaphore_mem>>
        %dma_start3A_74 = arith.constant 0 : i32
        %dma_start3A_75 = tpu.memref_slice %arg8[%mul3A_48, %dma_start3A_74] : memref<40x128xi32, #tpu.memory_space<vmem>> -> memref<1x128xi32, #tpu.memory_space<vmem>>
        %dma_start3A_76 = tpu.memref_squeeze %dma_start3A_75 : memref<1x128xi32, #tpu.memory_space<vmem>> -> memref<128xi32, #tpu.memory_space<vmem>>
        %dma_start3A_77 = arith.constant 0 : i32
        %dma_start3A_78 = arith.constant 0 : i32
        %dma_start3A_79 = tpu.memref_slice %arg11[%dma_start3A_77, %dma_start3A_78] : memref<10112x128xf32, #tpu.memory_space<vmem_shared>> -> memref<10112x128xf32, #tpu.memory_space<vmem_shared>>
        tpu.enqueue_indirect_dma source(%arg9 : memref<128x128xf32, #tpu.memory_space<vmem>>) target(%dma_start3A_79 : memref<10112x128xf32, #tpu.memory_space<vmem_shared>>) offsets(%dma_start3A_76 : memref<128xi32, #tpu.memory_space<vmem>>) semaphore(%run_scoped3A : memref<!tpu.dma_semaphore, #tpu.memory_space<semaphore_mem>>) {add = true}
        %dma_wait3A_80 = arith.constant 0 : i32
        %dma_wait3A_81 = tpu.memref_slice %arg8[%mul3A_48, %dma_wait3A_80] : memref<40x128xi32, #tpu.memory_space<vmem>> -> memref<1x128xi32, #tpu.memory_space<vmem>>
        %dma_wait3A_82 = tpu.memref_squeeze %dma_wait3A_81 : memref<1x128xi32, #tpu.memory_space<vmem>> -> memref<128xi32, #tpu.memory_space<vmem>>
        %dma_wait3A_83 = arith.constant 0 : i32
        %dma_wait3A_84 = arith.constant 0 : i32
        %dma_wait3A_85 = tpu.memref_slice %arg11[%dma_wait3A_83, %dma_wait3A_84] : memref<10112x128xf32, #tpu.memory_space<vmem_shared>> -> memref<10112x128xf32, #tpu.memory_space<vmem_shared>>
        tpu.wait_indirect_dma semaphore(%run_scoped3A : memref<!tpu.dma_semaphore, #tpu.memory_space<semaphore_mem>>) src(%arg9 : memref<128x128xf32, #tpu.memory_space<vmem>>) dst(%dma_wait3A_85 : memref<10112x128xf32, #tpu.memory_space<vmem_shared>>)
        tpu.yield
      }) : () -> ()
      %add3A_56 = arith.constant 1 : i32
      %add3A_57 = arith.addi %add3A_49, %add3A_56 : i32
      %lt3A = arith.constant 40 : i32
      %lt3A_58 = arith.cmpi slt, %add3A_57, %lt3A : i32
      %convert_element_type3A = arith.extui %lt3A_58 : i1 to i32
      %cond3A = arith.constant 0 : i32
      %cond3A_59 = arith.cmpi ne, %convert_element_type3A, %cond3A : i32
      scf.if %cond3A_59 {
        %add3A_74 = arith.constant 1 : i32
        %add3A_75 = arith.addi %add3A_49, %add3A_74 : i32
        %dma_start3A_76 = arith.constant 0 : i32
        %dma_start3A_77 = tpu.memref_slice %arg7[%add3A_75, %dma_start3A_76] : memref<40x128xi32, #tpu.memory_space<vmem>> -> memref<1x128xi32, #tpu.memory_space<vmem>>
        %dma_start3A_78 = tpu.memref_squeeze %dma_start3A_77 : memref<1x128xi32, #tpu.memory_space<vmem>> -> memref<128xi32, #tpu.memory_space<vmem>>
        %dma_start3A_79 = arith.constant 0 : i32
        %dma_start3A_80 = arith.constant 0 : i32
        %dma_start3A_81 = tpu.memref_slice %arg2[%dma_start3A_79, %dma_start3A_80] : memref<10112x128xf32, #tpu.memory_space<hbm>> -> memref<10112x128xf32, #tpu.memory_space<hbm>>
        tpu.enqueue_indirect_dma source(%dma_start3A_81 : memref<10112x128xf32, #tpu.memory_space<hbm>>) target(%arg9 : memref<128x128xf32, #tpu.memory_space<vmem>>) offsets(%dma_start3A_78 : memref<128xi32, #tpu.memory_space<vmem>>) semaphore(%arg12 : memref<!tpu.dma_semaphore, #tpu.memory_space<semaphore_mem>>)
      } else {
      }
      %dma_wait3A_60 = arith.constant 0 : i32
      %dma_wait3A_61 = arith.constant 0 : i32
      %dma_wait3A_62 = tpu.memref_slice %arg7[%dma_wait3A_60, %dma_wait3A_61] : memref<40x128xi32, #tpu.memory_space<vmem>> -> memref<1x128xi32, #tpu.memory_space<vmem>>
      %dma_wait3A_63 = tpu.memref_squeeze %dma_wait3A_62 : memref<1x128xi32, #tpu.memory_space<vmem>> -> memref<128xi32, #tpu.memory_space<vmem>>
      %dma_wait3A_64 = arith.constant 0 : i32
      %dma_wait3A_65 = arith.constant 0 : i32
      %dma_wait3A_66 = tpu.memref_slice %arg2[%dma_wait3A_64, %dma_wait3A_65] : memref<10112x128xf32, #tpu.memory_space<hbm>> -> memref<10112x128xf32, #tpu.memory_space<hbm>>
      tpu.wait_indirect_dma semaphore(%arg13 : memref<!tpu.dma_semaphore, #tpu.memory_space<semaphore_mem>>) src(%dma_wait3A_66 : memref<10112x128xf32, #tpu.memory_space<hbm>>) dst(%arg10 : memref<128x128xf32, #tpu.memory_space<vmem>>)
      "tpu.region"() ({
        %run_scoped3A = tpu.sem_alloc : memref<!tpu.dma_semaphore, #tpu.memory_space<semaphore_mem>>
        %dma_start3A_74 = arith.constant 0 : i32
        %dma_start3A_75 = tpu.memref_slice %arg8[%add3A_49, %dma_start3A_74] : memref<40x128xi32, #tpu.memory_space<vmem>> -> memref<1x128xi32, #tpu.memory_space<vmem>>
        %dma_start3A_76 = tpu.memref_squeeze %dma_start3A_75 : memref<1x128xi32, #tpu.memory_space<vmem>> -> memref<128xi32, #tpu.memory_space<vmem>>
        %dma_start3A_77 = arith.constant 0 : i32
        %dma_start3A_78 = arith.constant 0 : i32
        %dma_start3A_79 = tpu.memref_slice %arg11[%dma_start3A_77, %dma_start3A_78] : memref<10112x128xf32, #tpu.memory_space<vmem_shared>> -> memref<10112x128xf32, #tpu.memory_space<vmem_shared>>
        tpu.enqueue_indirect_dma source(%arg10 : memref<128x128xf32, #tpu.memory_space<vmem>>) target(%dma_start3A_79 : memref<10112x128xf32, #tpu.memory_space<vmem_shared>>) offsets(%dma_start3A_76 : memref<128xi32, #tpu.memory_space<vmem>>) semaphore(%run_scoped3A : memref<!tpu.dma_semaphore, #tpu.memory_space<semaphore_mem>>) {add = true}
        %dma_wait3A_80 = arith.constant 0 : i32
        %dma_wait3A_81 = tpu.memref_slice %arg8[%add3A_49, %dma_wait3A_80] : memref<40x128xi32, #tpu.memory_space<vmem>> -> memref<1x128xi32, #tpu.memory_space<vmem>>
        %dma_wait3A_82 = tpu.memref_squeeze %dma_wait3A_81 : memref<1x128xi32, #tpu.memory_space<vmem>> -> memref<128xi32, #tpu.memory_space<vmem>>
        %dma_wait3A_83 = arith.constant 0 : i32
        %dma_wait3A_84 = arith.constant 0 : i32
        %dma_wait3A_85 = tpu.memref_slice %arg11[%dma_wait3A_83, %dma_wait3A_84] : memref<10112x128xf32, #tpu.memory_space<vmem_shared>> -> memref<10112x128xf32, #tpu.memory_space<vmem_shared>>
        tpu.wait_indirect_dma semaphore(%run_scoped3A : memref<!tpu.dma_semaphore, #tpu.memory_space<semaphore_mem>>) src(%arg10 : memref<128x128xf32, #tpu.memory_space<vmem>>) dst(%dma_wait3A_85 : memref<10112x128xf32, #tpu.memory_space<vmem_shared>>)
        tpu.yield
      }) : () -> ()
      %add3A_67 = arith.constant 2 : i32
      %add3A_68 = arith.addi %add3A_49, %add3A_67 : i32
      %lt3A_69 = arith.constant 40 : i32
      %lt3A_70 = arith.cmpi slt, %add3A_68, %lt3A_69 : i32
      %convert_element_type3A_71 = arith.extui %lt3A_70 : i1 to i32
      %cond3A_72 = arith.constant 0 : i32
      %cond3A_73 = arith.cmpi ne, %convert_element_type3A_71, %cond3A_72 : i32
      scf.if %cond3A_73 {
        %add3A_74 = arith.constant 2 : i32
        %add3A_75 = arith.addi %add3A_49, %add3A_74 : i32
        %dma_start3A_76 = arith.constant 0 : i32
        %dma_start3A_77 = tpu.memref_slice %arg7[%add3A_75, %dma_start3A_76] : memref<40x128xi32, #tpu.memory_space<vmem>> -> memref<1x128xi32, #tpu.memory_space<vmem>>
        %dma_start3A_78 = tpu.memref_squeeze %dma_start3A_77 : memref<1x128xi32, #tpu.memory_space<vmem>> -> memref<128xi32, #tpu.memory_space<vmem>>
        %dma_start3A_79 = arith.constant 0 : i32
        %dma_start3A_80 = arith.constant 0 : i32
        %dma_start3A_81 = tpu.memref_slice %arg2[%dma_start3A_79, %dma_start3A_80] : memref<10112x128xf32, #tpu.memory_space<hbm>> -> memref<10112x128xf32, #tpu.memory_space<hbm>>
        tpu.enqueue_indirect_dma source(%dma_start3A_81 : memref<10112x128xf32, #tpu.memory_space<hbm>>) target(%arg10 : memref<128x128xf32, #tpu.memory_space<vmem>>) offsets(%dma_start3A_78 : memref<128xi32, #tpu.memory_space<vmem>>) semaphore(%arg13 : memref<!tpu.dma_semaphore, #tpu.memory_space<semaphore_mem>>)
      } else {
      }
    }
    %scan3A_20 = arith.constant 20 : i32
    "tpu.region"() ({
      %run_scoped3A = tpu.sem_alloc : memref<!tpu.dma_semaphore, #tpu.memory_space<semaphore_mem>>
      %dma_start3A_46 = arith.constant 40 : i32
      %dma_start3A_47 = arith.constant 0 : i32
      %dma_start3A_48 = tpu.memref_slice %arg3[%arg0, %arg1, %dma_start3A_46, %dma_start3A_47] : memref<2x16x80x128xi32, #tpu.memory_space<hbm>> -> memref<1x1x40x128xi32, #tpu.memory_space<hbm>>
      %dma_start3A_49 = tpu.memref_squeeze %dma_start3A_48 : memref<1x1x40x128xi32, #tpu.memory_space<hbm>> -> memref<40x128xi32, #tpu.memory_space<hbm>>
      %dma_start3A_50 = arith.constant 40 : i32
      %dma_start3A_51 = arith.constant 0 : i32
      %dma_start3A_52 = tpu.memref_slice %arg3[%arg0, %arg1, %dma_start3A_50, %dma_start3A_51] : memref<2x16x80x128xi32, #tpu.memory_space<hbm>> -> memref<1x1x40x128xi32, #tpu.memory_space<hbm>>
      %dma_start3A_53 = tpu.memref_squeeze %dma_start3A_52 : memref<1x1x40x128xi32, #tpu.memory_space<hbm>> -> memref<40x128xi32, #tpu.memory_space<hbm>>
      tpu.enqueue_dma source(%dma_start3A_53 : memref<40x128xi32, #tpu.memory_space<hbm>>) target(%arg7 : memref<40x128xi32, #tpu.memory_space<vmem>>) target_semaphore(%run_scoped3A : memref<!tpu.dma_semaphore, #tpu.memory_space<semaphore_mem>>)
      %dma_wait3A = arith.constant 40 : i32
      %dma_wait3A_54 = arith.constant 0 : i32
      %dma_wait3A_55 = tpu.memref_slice %arg3[%arg0, %arg1, %dma_wait3A, %dma_wait3A_54] : memref<2x16x80x128xi32, #tpu.memory_space<hbm>> -> memref<1x1x40x128xi32, #tpu.memory_space<hbm>>
      %dma_wait3A_56 = tpu.memref_squeeze %dma_wait3A_55 : memref<1x1x40x128xi32, #tpu.memory_space<hbm>> -> memref<40x128xi32, #tpu.memory_space<hbm>>
      %dma_wait3A_57 = arith.constant 40 : i32
      %dma_wait3A_58 = arith.constant 0 : i32
      %dma_wait3A_59 = tpu.memref_slice %arg3[%arg0, %arg1, %dma_wait3A_57, %dma_wait3A_58] : memref<2x16x80x128xi32, #tpu.memory_space<hbm>> -> memref<1x1x40x128xi32, #tpu.memory_space<hbm>>
      %dma_wait3A_60 = tpu.memref_squeeze %dma_wait3A_59 : memref<1x1x40x128xi32, #tpu.memory_space<hbm>> -> memref<40x128xi32, #tpu.memory_space<hbm>>
      tpu.wait_dma2 semaphore(%run_scoped3A : memref<!tpu.dma_semaphore, #tpu.memory_space<semaphore_mem>>) src(%dma_wait3A_60 : memref<40x128xi32, #tpu.memory_space<hbm>>) dst(%arg7 : memref<40x128xi32, #tpu.memory_space<vmem>>)
      tpu.yield
    }) : () -> ()
    "tpu.region"() ({
      %run_scoped3A = tpu.sem_alloc : memref<!tpu.dma_semaphore, #tpu.memory_space<semaphore_mem>>
      %dma_start3A_46 = arith.constant 40 : i32
      %dma_start3A_47 = arith.constant 0 : i32
      %dma_start3A_48 = tpu.memref_slice %arg4[%arg0, %arg1, %dma_start3A_46, %dma_start3A_47] : memref<2x16x80x128xi32, #tpu.memory_space<hbm>> -> memref<1x1x40x128xi32, #tpu.memory_space<hbm>>
      %dma_start3A_49 = tpu.memref_squeeze %dma_start3A_48 : memref<1x1x40x128xi32, #tpu.memory_space<hbm>> -> memref<40x128xi32, #tpu.memory_space<hbm>>
      %dma_start3A_50 = arith.constant 40 : i32
      %dma_start3A_51 = arith.constant 0 : i32
      %dma_start3A_52 = tpu.memref_slice %arg4[%arg0, %arg1, %dma_start3A_50, %dma_start3A_51] : memref<2x16x80x128xi32, #tpu.memory_space<hbm>> -> memref<1x1x40x128xi32, #tpu.memory_space<hbm>>
      %dma_start3A_53 = tpu.memref_squeeze %dma_start3A_52 : memref<1x1x40x128xi32, #tpu.memory_space<hbm>> -> memref<40x128xi32, #tpu.memory_space<hbm>>
      tpu.enqueue_dma source(%dma_start3A_53 : memref<40x128xi32, #tpu.memory_space<hbm>>) target(%arg8 : memref<40x128xi32, #tpu.memory_space<vmem>>) target_semaphore(%run_scoped3A : memref<!tpu.dma_semaphore, #tpu.memory_space<semaphore_mem>>)
      %dma_wait3A = arith.constant 40 : i32
      %dma_wait3A_54 = arith.constant 0 : i32
      %dma_wait3A_55 = tpu.memref_slice %arg4[%arg0, %arg1, %dma_wait3A, %dma_wait3A_54] : memref<2x16x80x128xi32, #tpu.memory_space<hbm>> -> memref<1x1x40x128xi32, #tpu.memory_space<hbm>>
      %dma_wait3A_56 = tpu.memref_squeeze %dma_wait3A_55 : memref<1x1x40x128xi32, #tpu.memory_space<hbm>> -> memref<40x128xi32, #tpu.memory_space<hbm>>
      %dma_wait3A_57 = arith.constant 40 : i32
      %dma_wait3A_58 = arith.constant 0 : i32
      %dma_wait3A_59 = tpu.memref_slice %arg4[%arg0, %arg1, %dma_wait3A_57, %dma_wait3A_58] : memref<2x16x80x128xi32, #tpu.memory_space<hbm>> -> memref<1x1x40x128xi32, #tpu.memory_space<hbm>>
      %dma_wait3A_60 = tpu.memref_squeeze %dma_wait3A_59 : memref<1x1x40x128xi32, #tpu.memory_space<hbm>> -> memref<40x128xi32, #tpu.memory_space<hbm>>
      tpu.wait_dma2 semaphore(%run_scoped3A : memref<!tpu.dma_semaphore, #tpu.memory_space<semaphore_mem>>) src(%dma_wait3A_60 : memref<40x128xi32, #tpu.memory_space<hbm>>) dst(%arg8 : memref<40x128xi32, #tpu.memory_space<vmem>>)
      tpu.yield
    }) : () -> ()
    %dma_start3A_21 = arith.constant 0 : i32
    %dma_start3A_22 = arith.constant 0 : i32
    %dma_start3A_23 = tpu.memref_slice %arg7[%dma_start3A_21, %dma_start3A_22] : memref<40x128xi32, #tpu.memory_space<vmem>> -> memref<1x128xi32, #tpu.memory_space<vmem>>
    %dma_start3A_24 = tpu.memref_squeeze %dma_start3A_23 : memref<1x128xi32, #tpu.memory_space<vmem>> -> memref<128xi32, #tpu.memory_space<vmem>>
    %dma_start3A_25 = arith.constant 0 : i32
    %dma_start3A_26 = arith.constant 0 : i32
    %dma_start3A_27 = tpu.memref_slice %arg2[%dma_start3A_25, %dma_start3A_26] : memref<10112x128xf32, #tpu.memory_space<hbm>> -> memref<10112x128xf32, #tpu.memory_space<hbm>>
    tpu.enqueue_indirect_dma source(%dma_start3A_27 : memref<10112x128xf32, #tpu.memory_space<hbm>>) target(%arg9 : memref<128x128xf32, #tpu.memory_space<vmem>>) offsets(%dma_start3A_24 : memref<128xi32, #tpu.memory_space<vmem>>) semaphore(%arg12 : memref<!tpu.dma_semaphore, #tpu.memory_space<semaphore_mem>>)
    %dma_start3A_28 = arith.constant 1 : i32
    %dma_start3A_29 = arith.constant 0 : i32
    %dma_start3A_30 = tpu.memref_slice %arg7[%dma_start3A_28, %dma_start3A_29] : memref<40x128xi32, #tpu.memory_space<vmem>> -> memref<1x128xi32, #tpu.memory_space<vmem>>
    %dma_start3A_31 = tpu.memref_squeeze %dma_start3A_30 : memref<1x128xi32, #tpu.memory_space<vmem>> -> memref<128xi32, #tpu.memory_space<vmem>>
    %dma_start3A_32 = arith.constant 0 : i32
    %dma_start3A_33 = arith.constant 0 : i32
    %dma_start3A_34 = tpu.memref_slice %arg2[%dma_start3A_32, %dma_start3A_33] : memref<10112x128xf32, #tpu.memory_space<hbm>> -> memref<10112x128xf32, #tpu.memory_space<hbm>>
    tpu.enqueue_indirect_dma source(%dma_start3A_34 : memref<10112x128xf32, #tpu.memory_space<hbm>>) target(%arg10 : memref<128x128xf32, #tpu.memory_space<vmem>>) offsets(%dma_start3A_31 : memref<128xi32, #tpu.memory_space<vmem>>) semaphore(%arg13 : memref<!tpu.dma_semaphore, #tpu.memory_space<semaphore_mem>>)
    %scan3A_35 = arith.constant 0 : i32
    %scan3A_36 = arith.constant 0 : i32
    %scan3A_37 = arith.constant 20 : i32
    %scan3A_38 = arith.addi %scan3A_36, %scan3A_37 : i32
    %scan3A_39 = arith.constant 1 : i32
    scf.for %scan3A_46 = %scan3A_36 to %scan3A_38 step %scan3A_39  : i32 {
      %mul3A_47 = arith.constant 2 : i32
      %mul3A_48 = arith.muli %mul3A_47, %scan3A_46 : i32
      %add3A = arith.constant 1 : i32
      %add3A_49 = arith.addi %mul3A_48, %add3A : i32
      %dma_wait3A = arith.constant 0 : i32
      %dma_wait3A_50 = arith.constant 0 : i32
      %dma_wait3A_51 = tpu.memref_slice %arg7[%dma_wait3A, %dma_wait3A_50] : memref<40x128xi32, #tpu.memory_space<vmem>> -> memref<1x128xi32, #tpu.memory_space<vmem>>
      %dma_wait3A_52 = tpu.memref_squeeze %dma_wait3A_51 : memref<1x128xi32, #tpu.memory_space<vmem>> -> memref<128xi32, #tpu.memory_space<vmem>>
      %dma_wait3A_53 = arith.constant 0 : i32
      %dma_wait3A_54 = arith.constant 0 : i32
      %dma_wait3A_55 = tpu.memref_slice %arg2[%dma_wait3A_53, %dma_wait3A_54] : memref<10112x128xf32, #tpu.memory_space<hbm>> -> memref<10112x128xf32, #tpu.memory_space<hbm>>
      tpu.wait_indirect_dma semaphore(%arg12 : memref<!tpu.dma_semaphore, #tpu.memory_space<semaphore_mem>>) src(%dma_wait3A_55 : memref<10112x128xf32, #tpu.memory_space<hbm>>) dst(%arg9 : memref<128x128xf32, #tpu.memory_space<vmem>>)
      "tpu.region"() ({
        %run_scoped3A = tpu.sem_alloc : memref<!tpu.dma_semaphore, #tpu.memory_space<semaphore_mem>>
        %dma_start3A_74 = arith.constant 0 : i32
        %dma_start3A_75 = tpu.memref_slice %arg8[%mul3A_48, %dma_start3A_74] : memref<40x128xi32, #tpu.memory_space<vmem>> -> memref<1x128xi32, #tpu.memory_space<vmem>>
        %dma_start3A_76 = tpu.memref_squeeze %dma_start3A_75 : memref<1x128xi32, #tpu.memory_space<vmem>> -> memref<128xi32, #tpu.memory_space<vmem>>
        %dma_start3A_77 = arith.constant 0 : i32
        %dma_start3A_78 = arith.constant 0 : i32
        %dma_start3A_79 = tpu.memref_slice %arg11[%dma_start3A_77, %dma_start3A_78] : memref<10112x128xf32, #tpu.memory_space<vmem_shared>> -> memref<10112x128xf32, #tpu.memory_space<vmem_shared>>
        tpu.enqueue_indirect_dma source(%arg9 : memref<128x128xf32, #tpu.memory_space<vmem>>) target(%dma_start3A_79 : memref<10112x128xf32, #tpu.memory_space<vmem_shared>>) offsets(%dma_start3A_76 : memref<128xi32, #tpu.memory_space<vmem>>) semaphore(%run_scoped3A : memref<!tpu.dma_semaphore, #tpu.memory_space<semaphore_mem>>) {add = true}
        %dma_wait3A_80 = arith.constant 0 : i32
        %dma_wait3A_81 = tpu.memref_slice %arg8[%mul3A_48, %dma_wait3A_80] : memref<40x128xi32, #tpu.memory_space<vmem>> -> memref<1x128xi32, #tpu.memory_space<vmem>>
        %dma_wait3A_82 = tpu.memref_squeeze %dma_wait3A_81 : memref<1x128xi32, #tpu.memory_space<vmem>> -> memref<128xi32, #tpu.memory_space<vmem>>
        %dma_wait3A_83 = arith.constant 0 : i32
        %dma_wait3A_84 = arith.constant 0 : i32
        %dma_wait3A_85 = tpu.memref_slice %arg11[%dma_wait3A_83, %dma_wait3A_84] : memref<10112x128xf32, #tpu.memory_space<vmem_shared>> -> memref<10112x128xf32, #tpu.memory_space<vmem_shared>>
        tpu.wait_indirect_dma semaphore(%run_scoped3A : memref<!tpu.dma_semaphore, #tpu.memory_space<semaphore_mem>>) src(%arg9 : memref<128x128xf32, #tpu.memory_space<vmem>>) dst(%dma_wait3A_85 : memref<10112x128xf32, #tpu.memory_space<vmem_shared>>)
        tpu.yield
      }) : () -> ()
      %add3A_56 = arith.constant 1 : i32
      %add3A_57 = arith.addi %add3A_49, %add3A_56 : i32
      %lt3A = arith.constant 40 : i32
      %lt3A_58 = arith.cmpi slt, %add3A_57, %lt3A : i32
      %convert_element_type3A = arith.extui %lt3A_58 : i1 to i32
      %cond3A = arith.constant 0 : i32
      %cond3A_59 = arith.cmpi ne, %convert_element_type3A, %cond3A : i32
      scf.if %cond3A_59 {
        %add3A_74 = arith.constant 1 : i32
        %add3A_75 = arith.addi %add3A_49, %add3A_74 : i32
        %dma_start3A_76 = arith.constant 0 : i32
        %dma_start3A_77 = tpu.memref_slice %arg7[%add3A_75, %dma_start3A_76] : memref<40x128xi32, #tpu.memory_space<vmem>> -> memref<1x128xi32, #tpu.memory_space<vmem>>
        %dma_start3A_78 = tpu.memref_squeeze %dma_start3A_77 : memref<1x128xi32, #tpu.memory_space<vmem>> -> memref<128xi32, #tpu.memory_space<vmem>>
        %dma_start3A_79 = arith.constant 0 : i32
        %dma_start3A_80 = arith.constant 0 : i32
        %dma_start3A_81 = tpu.memref_slice %arg2[%dma_start3A_79, %dma_start3A_80] : memref<10112x128xf32, #tpu.memory_space<hbm>> -> memref<10112x128xf32, #tpu.memory_space<hbm>>
        tpu.enqueue_indirect_dma source(%dma_start3A_81 : memref<10112x128xf32, #tpu.memory_space<hbm>>) target(%arg9 : memref<128x128xf32, #tpu.memory_space<vmem>>) offsets(%dma_start3A_78 : memref<128xi32, #tpu.memory_space<vmem>>) semaphore(%arg12 : memref<!tpu.dma_semaphore, #tpu.memory_space<semaphore_mem>>)
      } else {
      }
      %dma_wait3A_60 = arith.constant 0 : i32
      %dma_wait3A_61 = arith.constant 0 : i32
      %dma_wait3A_62 = tpu.memref_slice %arg7[%dma_wait3A_60, %dma_wait3A_61] : memref<40x128xi32, #tpu.memory_space<vmem>> -> memref<1x128xi32, #tpu.memory_space<vmem>>
      %dma_wait3A_63 = tpu.memref_squeeze %dma_wait3A_62 : memref<1x128xi32, #tpu.memory_space<vmem>> -> memref<128xi32, #tpu.memory_space<vmem>>
      %dma_wait3A_64 = arith.constant 0 : i32
      %dma_wait3A_65 = arith.constant 0 : i32
      %dma_wait3A_66 = tpu.memref_slice %arg2[%dma_wait3A_64, %dma_wait3A_65] : memref<10112x128xf32, #tpu.memory_space<hbm>> -> memref<10112x128xf32, #tpu.memory_space<hbm>>
      tpu.wait_indirect_dma semaphore(%arg13 : memref<!tpu.dma_semaphore, #tpu.memory_space<semaphore_mem>>) src(%dma_wait3A_66 : memref<10112x128xf32, #tpu.memory_space<hbm>>) dst(%arg10 : memref<128x128xf32, #tpu.memory_space<vmem>>)
      "tpu.region"() ({
        %run_scoped3A = tpu.sem_alloc : memref<!tpu.dma_semaphore, #tpu.memory_space<semaphore_mem>>
        %dma_start3A_74 = arith.constant 0 : i32
        %dma_start3A_75 = tpu.memref_slice %arg8[%add3A_49, %dma_start3A_74] : memref<40x128xi32, #tpu.memory_space<vmem>> -> memref<1x128xi32, #tpu.memory_space<vmem>>
        %dma_start3A_76 = tpu.memref_squeeze %dma_start3A_75 : memref<1x128xi32, #tpu.memory_space<vmem>> -> memref<128xi32, #tpu.memory_space<vmem>>
        %dma_start3A_77 = arith.constant 0 : i32
        %dma_start3A_78 = arith.constant 0 : i32
        %dma_start3A_79 = tpu.memref_slice %arg11[%dma_start3A_77, %dma_start3A_78] : memref<10112x128xf32, #tpu.memory_space<vmem_shared>> -> memref<10112x128xf32, #tpu.memory_space<vmem_shared>>
        tpu.enqueue_indirect_dma source(%arg10 : memref<128x128xf32, #tpu.memory_space<vmem>>) target(%dma_start3A_79 : memref<10112x128xf32, #tpu.memory_space<vmem_shared>>) offsets(%dma_start3A_76 : memref<128xi32, #tpu.memory_space<vmem>>) semaphore(%run_scoped3A : memref<!tpu.dma_semaphore, #tpu.memory_space<semaphore_mem>>) {add = true}
        %dma_wait3A_80 = arith.constant 0 : i32
        %dma_wait3A_81 = tpu.memref_slice %arg8[%add3A_49, %dma_wait3A_80] : memref<40x128xi32, #tpu.memory_space<vmem>> -> memref<1x128xi32, #tpu.memory_space<vmem>>
        %dma_wait3A_82 = tpu.memref_squeeze %dma_wait3A_81 : memref<1x128xi32, #tpu.memory_space<vmem>> -> memref<128xi32, #tpu.memory_space<vmem>>
        %dma_wait3A_83 = arith.constant 0 : i32
        %dma_wait3A_84 = arith.constant 0 : i32
        %dma_wait3A_85 = tpu.memref_slice %arg11[%dma_wait3A_83, %dma_wait3A_84] : memref<10112x128xf32, #tpu.memory_space<vmem_shared>> -> memref<10112x128xf32, #tpu.memory_space<vmem_shared>>
        tpu.wait_indirect_dma semaphore(%run_scoped3A : memref<!tpu.dma_semaphore, #tpu.memory_space<semaphore_mem>>) src(%arg10 : memref<128x128xf32, #tpu.memory_space<vmem>>) dst(%dma_wait3A_85 : memref<10112x128xf32, #tpu.memory_space<vmem_shared>>)
        tpu.yield
      }) : () -> ()
      %add3A_67 = arith.constant 2 : i32
      %add3A_68 = arith.addi %add3A_49, %add3A_67 : i32
      %lt3A_69 = arith.constant 40 : i32
      %lt3A_70 = arith.cmpi slt, %add3A_68, %lt3A_69 : i32
      %convert_element_type3A_71 = arith.extui %lt3A_70 : i1 to i32
      %cond3A_72 = arith.constant 0 : i32
      %cond3A_73 = arith.cmpi ne, %convert_element_type3A_71, %cond3A_72 : i32
      scf.if %cond3A_73 {
        %add3A_74 = arith.constant 2 : i32
        %add3A_75 = arith.addi %add3A_49, %add3A_74 : i32
        %dma_start3A_76 = arith.constant 0 : i32
        %dma_start3A_77 = tpu.memref_slice %arg7[%add3A_75, %dma_start3A_76] : memref<40x128xi32, #tpu.memory_space<vmem>> -> memref<1x128xi32, #tpu.memory_space<vmem>>
        %dma_start3A_78 = tpu.memref_squeeze %dma_start3A_77 : memref<1x128xi32, #tpu.memory_space<vmem>> -> memref<128xi32, #tpu.memory_space<vmem>>
        %dma_start3A_79 = arith.constant 0 : i32
        %dma_start3A_80 = arith.constant 0 : i32
        %dma_start3A_81 = tpu.memref_slice %arg2[%dma_start3A_79, %dma_start3A_80] : memref<10112x128xf32, #tpu.memory_space<hbm>> -> memref<10112x128xf32, #tpu.memory_space<hbm>>
        tpu.enqueue_indirect_dma source(%dma_start3A_81 : memref<10112x128xf32, #tpu.memory_space<hbm>>) target(%arg10 : memref<128x128xf32, #tpu.memory_space<vmem>>) offsets(%dma_start3A_78 : memref<128xi32, #tpu.memory_space<vmem>>) semaphore(%arg13 : memref<!tpu.dma_semaphore, #tpu.memory_space<semaphore_mem>>)
      } else {
      }
    }
    %scan3A_40 = arith.constant 20 : i32
    %barrier3A_41 = arith.constant 0 : index
    tpu.barrier barrier_id(%barrier3A_41)
    %mul3A_42 = arith.constant 632 : i32
    %mul3A_43 = arith.muli %arg1, %mul3A_42 : i32
    %mul3A_44 = arith.constant 632 : i32
    %mul3A_45 = arith.muli %arg1, %mul3A_44 : i32
    "tpu.region"() ({
      %run_scoped3A = tpu.sem_alloc : memref<!tpu.dma_semaphore, #tpu.memory_space<semaphore_mem>>
      %dma_start3A_46 = arith.constant 0 : i32
      %dma_start3A_47 = tpu.memref_slice %arg6[%arg0, %mul3A_45, %dma_start3A_46] : memref<2x10112x128xf32, #tpu.memory_space<hbm>> -> memref<1x632x128xf32, #tpu.memory_space<hbm>>
      %dma_start3A_48 = tpu.memref_squeeze %dma_start3A_47 : memref<1x632x128xf32, #tpu.memory_space<hbm>> -> memref<632x128xf32, #tpu.memory_space<hbm>>
      %dma_start3A_49 = arith.constant 0 : i32
      %dma_start3A_50 = tpu.memref_slice %arg11[%mul3A_43, %dma_start3A_49] : memref<10112x128xf32, #tpu.memory_space<vmem_shared>> -> memref<632x128xf32, #tpu.memory_space<vmem_shared>>
      tpu.enqueue_dma source(%dma_start3A_50 : memref<632x128xf32, #tpu.memory_space<vmem_shared>>) target(%dma_start3A_48 : memref<632x128xf32, #tpu.memory_space<hbm>>) target_semaphore(%run_scoped3A : memref<!tpu.dma_semaphore, #tpu.memory_space<semaphore_mem>>)
      %dma_wait3A = arith.constant 0 : i32
      %dma_wait3A_51 = tpu.memref_slice %arg6[%arg0, %mul3A_45, %dma_wait3A] : memref<2x10112x128xf32, #tpu.memory_space<hbm>> -> memref<1x632x128xf32, #tpu.memory_space<hbm>>
      %dma_wait3A_52 = tpu.memref_squeeze %dma_wait3A_51 : memref<1x632x128xf32, #tpu.memory_space<hbm>> -> memref<632x128xf32, #tpu.memory_space<hbm>>
      %dma_wait3A_53 = arith.constant 0 : i32
      %dma_wait3A_54 = tpu.memref_slice %arg11[%mul3A_43, %dma_wait3A_53] : memref<10112x128xf32, #tpu.memory_space<vmem_shared>> -> memref<632x128xf32, #tpu.memory_space<vmem_shared>>
      tpu.wait_dma2 semaphore(%run_scoped3A : memref<!tpu.dma_semaphore, #tpu.memory_space<semaphore_mem>>) src(%dma_wait3A_54 : memref<632x128xf32, #tpu.memory_space<vmem_shared>>) dst(%dma_wait3A_52 : memref<632x128xf32, #tpu.memory_space<hbm>>)
      tpu.yield
    }) : () -> ()
    return
  }
}

#map = affine_map<(d0, d1) -> (0, 0)>
#map1 = affine_map<(d0, d1) -> (0, 0, 0, 0)>
#map2 = affine_map<(d0, d1) -> (0, 0, 0)>
module attributes {stable_mosaic.version = 14 : i64} {
  func.func @_scatter_body(%arg0: i32, %arg1: i32, %arg2: memref<10112x64xf32, #tpu.memory_space<hbm>>, %arg3: memref<2x16x80x128xi32, #tpu.memory_space<hbm>>, %arg4: memref<2x16x80x128xi32, #tpu.memory_space<hbm>>, %arg5: memref<10112x64xf32, #tpu.memory_space<hbm>>, %arg6: memref<2x10112x64xf32, #tpu.memory_space<hbm>>, %arg7: memref<40x128xi32, #tpu.memory_space<vmem>>, %arg8: memref<40x128xi32, #tpu.memory_space<vmem>>, %arg9: memref<128x64xf32, #tpu.memory_space<vmem>>, %arg10: memref<128x64xf32, #tpu.memory_space<vmem>>, %arg11: memref<10112x64xf32, #tpu.memory_space<vmem_shared>>, %arg12: memref<!tpu.dma_semaphore, #tpu.memory_space<semaphore_mem>>, %arg13: memref<!tpu.dma_semaphore, #tpu.memory_space<semaphore_mem>>) attributes {dimension_semantics = [#tpu.dimension_semantics<core_parallel>, #tpu.dimension_semantics<subcore_parallel>], iteration_bounds = array<i64: 2, 16>, scalar_prefetch = 0 : i64, scratch_operands = 7 : i64, tpu.core_type = #tpu.core_type<sc_vector_subcore>, window_params = [{transform_indices = #map}, {transform_indices = #map1}, {transform_indices = #map1}, {transform_indices = #map}, {transform_indices = #map2}]} {
    %mul3A = arith.constant 632 : i32
    %mul3A_0 = arith.muli %arg1, %mul3A : i32
    %mul3A_1 = arith.constant 632 : i32
    %mul3A_2 = arith.muli %arg1, %mul3A_1 : i32
    "tpu.region"() ({
      %run_scoped3A = tpu.sem_alloc : memref<!tpu.dma_semaphore, #tpu.memory_space<semaphore_mem>>
      %dma_start3A_46 = arith.constant 0 : i32
      %dma_start3A_47 = tpu.memref_slice %arg11[%mul3A_2, %dma_start3A_46] : memref<10112x64xf32, #tpu.memory_space<vmem_shared>> -> memref<632x64xf32, #tpu.memory_space<vmem_shared>>
      %dma_start3A_48 = arith.constant 0 : i32
      %dma_start3A_49 = tpu.memref_slice %arg5[%mul3A_0, %dma_start3A_48] : memref<10112x64xf32, #tpu.memory_space<hbm>> -> memref<632x64xf32, #tpu.memory_space<hbm>>
      tpu.enqueue_dma source(%dma_start3A_49 : memref<632x64xf32, #tpu.memory_space<hbm>>) target(%dma_start3A_47 : memref<632x64xf32, #tpu.memory_space<vmem_shared>>) target_semaphore(%run_scoped3A : memref<!tpu.dma_semaphore, #tpu.memory_space<semaphore_mem>>)
      %dma_wait3A = arith.constant 0 : i32
      %dma_wait3A_50 = tpu.memref_slice %arg11[%mul3A_2, %dma_wait3A] : memref<10112x64xf32, #tpu.memory_space<vmem_shared>> -> memref<632x64xf32, #tpu.memory_space<vmem_shared>>
      %dma_wait3A_51 = arith.constant 0 : i32
      %dma_wait3A_52 = tpu.memref_slice %arg5[%mul3A_0, %dma_wait3A_51] : memref<10112x64xf32, #tpu.memory_space<hbm>> -> memref<632x64xf32, #tpu.memory_space<hbm>>
      tpu.wait_dma2 semaphore(%run_scoped3A : memref<!tpu.dma_semaphore, #tpu.memory_space<semaphore_mem>>) src(%dma_wait3A_52 : memref<632x64xf32, #tpu.memory_space<hbm>>) dst(%dma_wait3A_50 : memref<632x64xf32, #tpu.memory_space<vmem_shared>>)
      tpu.yield
    }) : () -> ()
    %barrier3A = arith.constant 0 : index
    tpu.barrier barrier_id(%barrier3A)
    "tpu.region"() ({
      %run_scoped3A = tpu.sem_alloc : memref<!tpu.dma_semaphore, #tpu.memory_space<semaphore_mem>>
      %dma_start3A_46 = arith.constant 0 : i32
      %dma_start3A_47 = arith.constant 0 : i32
      %dma_start3A_48 = tpu.memref_slice %arg3[%arg0, %arg1, %dma_start3A_46, %dma_start3A_47] : memref<2x16x80x128xi32, #tpu.memory_space<hbm>> -> memref<1x1x40x128xi32, #tpu.memory_space<hbm>>
      %dma_start3A_49 = tpu.memref_squeeze %dma_start3A_48 : memref<1x1x40x128xi32, #tpu.memory_space<hbm>> -> memref<40x128xi32, #tpu.memory_space<hbm>>
      %dma_start3A_50 = arith.constant 0 : i32
      %dma_start3A_51 = arith.constant 0 : i32
      %dma_start3A_52 = tpu.memref_slice %arg3[%arg0, %arg1, %dma_start3A_50, %dma_start3A_51] : memref<2x16x80x128xi32, #tpu.memory_space<hbm>> -> memref<1x1x40x128xi32, #tpu.memory_space<hbm>>
      %dma_start3A_53 = tpu.memref_squeeze %dma_start3A_52 : memref<1x1x40x128xi32, #tpu.memory_space<hbm>> -> memref<40x128xi32, #tpu.memory_space<hbm>>
      tpu.enqueue_dma source(%dma_start3A_53 : memref<40x128xi32, #tpu.memory_space<hbm>>) target(%arg7 : memref<40x128xi32, #tpu.memory_space<vmem>>) target_semaphore(%run_scoped3A : memref<!tpu.dma_semaphore, #tpu.memory_space<semaphore_mem>>)
      %dma_wait3A = arith.constant 0 : i32
      %dma_wait3A_54 = arith.constant 0 : i32
      %dma_wait3A_55 = tpu.memref_slice %arg3[%arg0, %arg1, %dma_wait3A, %dma_wait3A_54] : memref<2x16x80x128xi32, #tpu.memory_space<hbm>> -> memref<1x1x40x128xi32, #tpu.memory_space<hbm>>
      %dma_wait3A_56 = tpu.memref_squeeze %dma_wait3A_55 : memref<1x1x40x128xi32, #tpu.memory_space<hbm>> -> memref<40x128xi32, #tpu.memory_space<hbm>>
      %dma_wait3A_57 = arith.constant 0 : i32
      %dma_wait3A_58 = arith.constant 0 : i32
      %dma_wait3A_59 = tpu.memref_slice %arg3[%arg0, %arg1, %dma_wait3A_57, %dma_wait3A_58] : memref<2x16x80x128xi32, #tpu.memory_space<hbm>> -> memref<1x1x40x128xi32, #tpu.memory_space<hbm>>
      %dma_wait3A_60 = tpu.memref_squeeze %dma_wait3A_59 : memref<1x1x40x128xi32, #tpu.memory_space<hbm>> -> memref<40x128xi32, #tpu.memory_space<hbm>>
      tpu.wait_dma2 semaphore(%run_scoped3A : memref<!tpu.dma_semaphore, #tpu.memory_space<semaphore_mem>>) src(%dma_wait3A_60 : memref<40x128xi32, #tpu.memory_space<hbm>>) dst(%arg7 : memref<40x128xi32, #tpu.memory_space<vmem>>)
      tpu.yield
    }) : () -> ()
    "tpu.region"() ({
      %run_scoped3A = tpu.sem_alloc : memref<!tpu.dma_semaphore, #tpu.memory_space<semaphore_mem>>
      %dma_start3A_46 = arith.constant 0 : i32
      %dma_start3A_47 = arith.constant 0 : i32
      %dma_start3A_48 = tpu.memref_slice %arg4[%arg0, %arg1, %dma_start3A_46, %dma_start3A_47] : memref<2x16x80x128xi32, #tpu.memory_space<hbm>> -> memref<1x1x40x128xi32, #tpu.memory_space<hbm>>
      %dma_start3A_49 = tpu.memref_squeeze %dma_start3A_48 : memref<1x1x40x128xi32, #tpu.memory_space<hbm>> -> memref<40x128xi32, #tpu.memory_space<hbm>>
      %dma_start3A_50 = arith.constant 0 : i32
      %dma_start3A_51 = arith.constant 0 : i32
      %dma_start3A_52 = tpu.memref_slice %arg4[%arg0, %arg1, %dma_start3A_50, %dma_start3A_51] : memref<2x16x80x128xi32, #tpu.memory_space<hbm>> -> memref<1x1x40x128xi32, #tpu.memory_space<hbm>>
      %dma_start3A_53 = tpu.memref_squeeze %dma_start3A_52 : memref<1x1x40x128xi32, #tpu.memory_space<hbm>> -> memref<40x128xi32, #tpu.memory_space<hbm>>
      tpu.enqueue_dma source(%dma_start3A_53 : memref<40x128xi32, #tpu.memory_space<hbm>>) target(%arg8 : memref<40x128xi32, #tpu.memory_space<vmem>>) target_semaphore(%run_scoped3A : memref<!tpu.dma_semaphore, #tpu.memory_space<semaphore_mem>>)
      %dma_wait3A = arith.constant 0 : i32
      %dma_wait3A_54 = arith.constant 0 : i32
      %dma_wait3A_55 = tpu.memref_slice %arg4[%arg0, %arg1, %dma_wait3A, %dma_wait3A_54] : memref<2x16x80x128xi32, #tpu.memory_space<hbm>> -> memref<1x1x40x128xi32, #tpu.memory_space<hbm>>
      %dma_wait3A_56 = tpu.memref_squeeze %dma_wait3A_55 : memref<1x1x40x128xi32, #tpu.memory_space<hbm>> -> memref<40x128xi32, #tpu.memory_space<hbm>>
      %dma_wait3A_57 = arith.constant 0 : i32
      %dma_wait3A_58 = arith.constant 0 : i32
      %dma_wait3A_59 = tpu.memref_slice %arg4[%arg0, %arg1, %dma_wait3A_57, %dma_wait3A_58] : memref<2x16x80x128xi32, #tpu.memory_space<hbm>> -> memref<1x1x40x128xi32, #tpu.memory_space<hbm>>
      %dma_wait3A_60 = tpu.memref_squeeze %dma_wait3A_59 : memref<1x1x40x128xi32, #tpu.memory_space<hbm>> -> memref<40x128xi32, #tpu.memory_space<hbm>>
      tpu.wait_dma2 semaphore(%run_scoped3A : memref<!tpu.dma_semaphore, #tpu.memory_space<semaphore_mem>>) src(%dma_wait3A_60 : memref<40x128xi32, #tpu.memory_space<hbm>>) dst(%arg8 : memref<40x128xi32, #tpu.memory_space<vmem>>)
      tpu.yield
    }) : () -> ()
    %dma_start3A = arith.constant 0 : i32
    %dma_start3A_3 = arith.constant 0 : i32
    %dma_start3A_4 = tpu.memref_slice %arg7[%dma_start3A, %dma_start3A_3] : memref<40x128xi32, #tpu.memory_space<vmem>> -> memref<1x128xi32, #tpu.memory_space<vmem>>
    %dma_start3A_5 = tpu.memref_squeeze %dma_start3A_4 : memref<1x128xi32, #tpu.memory_space<vmem>> -> memref<128xi32, #tpu.memory_space<vmem>>
    %dma_start3A_6 = arith.constant 0 : i32
    %dma_start3A_7 = arith.constant 0 : i32
    %dma_start3A_8 = tpu.memref_slice %arg2[%dma_start3A_6, %dma_start3A_7] : memref<10112x64xf32, #tpu.memory_space<hbm>> -> memref<10112x64xf32, #tpu.memory_space<hbm>>
    tpu.enqueue_indirect_dma source(%dma_start3A_8 : memref<10112x64xf32, #tpu.memory_space<hbm>>) target(%arg9 : memref<128x64xf32, #tpu.memory_space<vmem>>) offsets(%dma_start3A_5 : memref<128xi32, #tpu.memory_space<vmem>>) semaphore(%arg12 : memref<!tpu.dma_semaphore, #tpu.memory_space<semaphore_mem>>)
    %dma_start3A_9 = arith.constant 1 : i32
    %dma_start3A_10 = arith.constant 0 : i32
    %dma_start3A_11 = tpu.memref_slice %arg7[%dma_start3A_9, %dma_start3A_10] : memref<40x128xi32, #tpu.memory_space<vmem>> -> memref<1x128xi32, #tpu.memory_space<vmem>>
    %dma_start3A_12 = tpu.memref_squeeze %dma_start3A_11 : memref<1x128xi32, #tpu.memory_space<vmem>> -> memref<128xi32, #tpu.memory_space<vmem>>
    %dma_start3A_13 = arith.constant 0 : i32
    %dma_start3A_14 = arith.constant 0 : i32
    %dma_start3A_15 = tpu.memref_slice %arg2[%dma_start3A_13, %dma_start3A_14] : memref<10112x64xf32, #tpu.memory_space<hbm>> -> memref<10112x64xf32, #tpu.memory_space<hbm>>
    tpu.enqueue_indirect_dma source(%dma_start3A_15 : memref<10112x64xf32, #tpu.memory_space<hbm>>) target(%arg10 : memref<128x64xf32, #tpu.memory_space<vmem>>) offsets(%dma_start3A_12 : memref<128xi32, #tpu.memory_space<vmem>>) semaphore(%arg13 : memref<!tpu.dma_semaphore, #tpu.memory_space<semaphore_mem>>)
    %scan3A = arith.constant 0 : i32
    %scan3A_16 = arith.constant 0 : i32
    %scan3A_17 = arith.constant 20 : i32
    %scan3A_18 = arith.addi %scan3A_16, %scan3A_17 : i32
    %scan3A_19 = arith.constant 1 : i32
    scf.for %scan3A_46 = %scan3A_16 to %scan3A_18 step %scan3A_19  : i32 {
      %mul3A_47 = arith.constant 2 : i32
      %mul3A_48 = arith.muli %mul3A_47, %scan3A_46 : i32
      %add3A = arith.constant 1 : i32
      %add3A_49 = arith.addi %mul3A_48, %add3A : i32
      %dma_wait3A = arith.constant 0 : i32
      %dma_wait3A_50 = arith.constant 0 : i32
      %dma_wait3A_51 = tpu.memref_slice %arg7[%dma_wait3A, %dma_wait3A_50] : memref<40x128xi32, #tpu.memory_space<vmem>> -> memref<1x128xi32, #tpu.memory_space<vmem>>
      %dma_wait3A_52 = tpu.memref_squeeze %dma_wait3A_51 : memref<1x128xi32, #tpu.memory_space<vmem>> -> memref<128xi32, #tpu.memory_space<vmem>>
      %dma_wait3A_53 = arith.constant 0 : i32
      %dma_wait3A_54 = arith.constant 0 : i32
      %dma_wait3A_55 = tpu.memref_slice %arg2[%dma_wait3A_53, %dma_wait3A_54] : memref<10112x64xf32, #tpu.memory_space<hbm>> -> memref<10112x64xf32, #tpu.memory_space<hbm>>
      tpu.wait_indirect_dma semaphore(%arg12 : memref<!tpu.dma_semaphore, #tpu.memory_space<semaphore_mem>>) src(%dma_wait3A_55 : memref<10112x64xf32, #tpu.memory_space<hbm>>) dst(%arg9 : memref<128x64xf32, #tpu.memory_space<vmem>>)
      "tpu.region"() ({
        %run_scoped3A = tpu.sem_alloc : memref<!tpu.dma_semaphore, #tpu.memory_space<semaphore_mem>>
        %dma_start3A_74 = arith.constant 0 : i32
        %dma_start3A_75 = tpu.memref_slice %arg8[%mul3A_48, %dma_start3A_74] : memref<40x128xi32, #tpu.memory_space<vmem>> -> memref<1x128xi32, #tpu.memory_space<vmem>>
        %dma_start3A_76 = tpu.memref_squeeze %dma_start3A_75 : memref<1x128xi32, #tpu.memory_space<vmem>> -> memref<128xi32, #tpu.memory_space<vmem>>
        %dma_start3A_77 = arith.constant 0 : i32
        %dma_start3A_78 = arith.constant 0 : i32
        %dma_start3A_79 = tpu.memref_slice %arg11[%dma_start3A_77, %dma_start3A_78] : memref<10112x64xf32, #tpu.memory_space<vmem_shared>> -> memref<10112x64xf32, #tpu.memory_space<vmem_shared>>
        tpu.enqueue_indirect_dma source(%arg9 : memref<128x64xf32, #tpu.memory_space<vmem>>) target(%dma_start3A_79 : memref<10112x64xf32, #tpu.memory_space<vmem_shared>>) offsets(%dma_start3A_76 : memref<128xi32, #tpu.memory_space<vmem>>) semaphore(%run_scoped3A : memref<!tpu.dma_semaphore, #tpu.memory_space<semaphore_mem>>) {add = true}
        %dma_wait3A_80 = arith.constant 0 : i32
        %dma_wait3A_81 = tpu.memref_slice %arg8[%mul3A_48, %dma_wait3A_80] : memref<40x128xi32, #tpu.memory_space<vmem>> -> memref<1x128xi32, #tpu.memory_space<vmem>>
        %dma_wait3A_82 = tpu.memref_squeeze %dma_wait3A_81 : memref<1x128xi32, #tpu.memory_space<vmem>> -> memref<128xi32, #tpu.memory_space<vmem>>
        %dma_wait3A_83 = arith.constant 0 : i32
        %dma_wait3A_84 = arith.constant 0 : i32
        %dma_wait3A_85 = tpu.memref_slice %arg11[%dma_wait3A_83, %dma_wait3A_84] : memref<10112x64xf32, #tpu.memory_space<vmem_shared>> -> memref<10112x64xf32, #tpu.memory_space<vmem_shared>>
        tpu.wait_indirect_dma semaphore(%run_scoped3A : memref<!tpu.dma_semaphore, #tpu.memory_space<semaphore_mem>>) src(%arg9 : memref<128x64xf32, #tpu.memory_space<vmem>>) dst(%dma_wait3A_85 : memref<10112x64xf32, #tpu.memory_space<vmem_shared>>)
        tpu.yield
      }) : () -> ()
      %add3A_56 = arith.constant 1 : i32
      %add3A_57 = arith.addi %add3A_49, %add3A_56 : i32
      %lt3A = arith.constant 40 : i32
      %lt3A_58 = arith.cmpi slt, %add3A_57, %lt3A : i32
      %convert_element_type3A = arith.extui %lt3A_58 : i1 to i32
      %cond3A = arith.constant 0 : i32
      %cond3A_59 = arith.cmpi ne, %convert_element_type3A, %cond3A : i32
      scf.if %cond3A_59 {
        %add3A_74 = arith.constant 1 : i32
        %add3A_75 = arith.addi %add3A_49, %add3A_74 : i32
        %dma_start3A_76 = arith.constant 0 : i32
        %dma_start3A_77 = tpu.memref_slice %arg7[%add3A_75, %dma_start3A_76] : memref<40x128xi32, #tpu.memory_space<vmem>> -> memref<1x128xi32, #tpu.memory_space<vmem>>
        %dma_start3A_78 = tpu.memref_squeeze %dma_start3A_77 : memref<1x128xi32, #tpu.memory_space<vmem>> -> memref<128xi32, #tpu.memory_space<vmem>>
        %dma_start3A_79 = arith.constant 0 : i32
        %dma_start3A_80 = arith.constant 0 : i32
        %dma_start3A_81 = tpu.memref_slice %arg2[%dma_start3A_79, %dma_start3A_80] : memref<10112x64xf32, #tpu.memory_space<hbm>> -> memref<10112x64xf32, #tpu.memory_space<hbm>>
        tpu.enqueue_indirect_dma source(%dma_start3A_81 : memref<10112x64xf32, #tpu.memory_space<hbm>>) target(%arg9 : memref<128x64xf32, #tpu.memory_space<vmem>>) offsets(%dma_start3A_78 : memref<128xi32, #tpu.memory_space<vmem>>) semaphore(%arg12 : memref<!tpu.dma_semaphore, #tpu.memory_space<semaphore_mem>>)
      } else {
      }
      %dma_wait3A_60 = arith.constant 0 : i32
      %dma_wait3A_61 = arith.constant 0 : i32
      %dma_wait3A_62 = tpu.memref_slice %arg7[%dma_wait3A_60, %dma_wait3A_61] : memref<40x128xi32, #tpu.memory_space<vmem>> -> memref<1x128xi32, #tpu.memory_space<vmem>>
      %dma_wait3A_63 = tpu.memref_squeeze %dma_wait3A_62 : memref<1x128xi32, #tpu.memory_space<vmem>> -> memref<128xi32, #tpu.memory_space<vmem>>
      %dma_wait3A_64 = arith.constant 0 : i32
      %dma_wait3A_65 = arith.constant 0 : i32
      %dma_wait3A_66 = tpu.memref_slice %arg2[%dma_wait3A_64, %dma_wait3A_65] : memref<10112x64xf32, #tpu.memory_space<hbm>> -> memref<10112x64xf32, #tpu.memory_space<hbm>>
      tpu.wait_indirect_dma semaphore(%arg13 : memref<!tpu.dma_semaphore, #tpu.memory_space<semaphore_mem>>) src(%dma_wait3A_66 : memref<10112x64xf32, #tpu.memory_space<hbm>>) dst(%arg10 : memref<128x64xf32, #tpu.memory_space<vmem>>)
      "tpu.region"() ({
        %run_scoped3A = tpu.sem_alloc : memref<!tpu.dma_semaphore, #tpu.memory_space<semaphore_mem>>
        %dma_start3A_74 = arith.constant 0 : i32
        %dma_start3A_75 = tpu.memref_slice %arg8[%add3A_49, %dma_start3A_74] : memref<40x128xi32, #tpu.memory_space<vmem>> -> memref<1x128xi32, #tpu.memory_space<vmem>>
        %dma_start3A_76 = tpu.memref_squeeze %dma_start3A_75 : memref<1x128xi32, #tpu.memory_space<vmem>> -> memref<128xi32, #tpu.memory_space<vmem>>
        %dma_start3A_77 = arith.constant 0 : i32
        %dma_start3A_78 = arith.constant 0 : i32
        %dma_start3A_79 = tpu.memref_slice %arg11[%dma_start3A_77, %dma_start3A_78] : memref<10112x64xf32, #tpu.memory_space<vmem_shared>> -> memref<10112x64xf32, #tpu.memory_space<vmem_shared>>
        tpu.enqueue_indirect_dma source(%arg10 : memref<128x64xf32, #tpu.memory_space<vmem>>) target(%dma_start3A_79 : memref<10112x64xf32, #tpu.memory_space<vmem_shared>>) offsets(%dma_start3A_76 : memref<128xi32, #tpu.memory_space<vmem>>) semaphore(%run_scoped3A : memref<!tpu.dma_semaphore, #tpu.memory_space<semaphore_mem>>) {add = true}
        %dma_wait3A_80 = arith.constant 0 : i32
        %dma_wait3A_81 = tpu.memref_slice %arg8[%add3A_49, %dma_wait3A_80] : memref<40x128xi32, #tpu.memory_space<vmem>> -> memref<1x128xi32, #tpu.memory_space<vmem>>
        %dma_wait3A_82 = tpu.memref_squeeze %dma_wait3A_81 : memref<1x128xi32, #tpu.memory_space<vmem>> -> memref<128xi32, #tpu.memory_space<vmem>>
        %dma_wait3A_83 = arith.constant 0 : i32
        %dma_wait3A_84 = arith.constant 0 : i32
        %dma_wait3A_85 = tpu.memref_slice %arg11[%dma_wait3A_83, %dma_wait3A_84] : memref<10112x64xf32, #tpu.memory_space<vmem_shared>> -> memref<10112x64xf32, #tpu.memory_space<vmem_shared>>
        tpu.wait_indirect_dma semaphore(%run_scoped3A : memref<!tpu.dma_semaphore, #tpu.memory_space<semaphore_mem>>) src(%arg10 : memref<128x64xf32, #tpu.memory_space<vmem>>) dst(%dma_wait3A_85 : memref<10112x64xf32, #tpu.memory_space<vmem_shared>>)
        tpu.yield
      }) : () -> ()
      %add3A_67 = arith.constant 2 : i32
      %add3A_68 = arith.addi %add3A_49, %add3A_67 : i32
      %lt3A_69 = arith.constant 40 : i32
      %lt3A_70 = arith.cmpi slt, %add3A_68, %lt3A_69 : i32
      %convert_element_type3A_71 = arith.extui %lt3A_70 : i1 to i32
      %cond3A_72 = arith.constant 0 : i32
      %cond3A_73 = arith.cmpi ne, %convert_element_type3A_71, %cond3A_72 : i32
      scf.if %cond3A_73 {
        %add3A_74 = arith.constant 2 : i32
        %add3A_75 = arith.addi %add3A_49, %add3A_74 : i32
        %dma_start3A_76 = arith.constant 0 : i32
        %dma_start3A_77 = tpu.memref_slice %arg7[%add3A_75, %dma_start3A_76] : memref<40x128xi32, #tpu.memory_space<vmem>> -> memref<1x128xi32, #tpu.memory_space<vmem>>
        %dma_start3A_78 = tpu.memref_squeeze %dma_start3A_77 : memref<1x128xi32, #tpu.memory_space<vmem>> -> memref<128xi32, #tpu.memory_space<vmem>>
        %dma_start3A_79 = arith.constant 0 : i32
        %dma_start3A_80 = arith.constant 0 : i32
        %dma_start3A_81 = tpu.memref_slice %arg2[%dma_start3A_79, %dma_start3A_80] : memref<10112x64xf32, #tpu.memory_space<hbm>> -> memref<10112x64xf32, #tpu.memory_space<hbm>>
        tpu.enqueue_indirect_dma source(%dma_start3A_81 : memref<10112x64xf32, #tpu.memory_space<hbm>>) target(%arg10 : memref<128x64xf32, #tpu.memory_space<vmem>>) offsets(%dma_start3A_78 : memref<128xi32, #tpu.memory_space<vmem>>) semaphore(%arg13 : memref<!tpu.dma_semaphore, #tpu.memory_space<semaphore_mem>>)
      } else {
      }
    }
    %scan3A_20 = arith.constant 20 : i32
    "tpu.region"() ({
      %run_scoped3A = tpu.sem_alloc : memref<!tpu.dma_semaphore, #tpu.memory_space<semaphore_mem>>
      %dma_start3A_46 = arith.constant 40 : i32
      %dma_start3A_47 = arith.constant 0 : i32
      %dma_start3A_48 = tpu.memref_slice %arg3[%arg0, %arg1, %dma_start3A_46, %dma_start3A_47] : memref<2x16x80x128xi32, #tpu.memory_space<hbm>> -> memref<1x1x40x128xi32, #tpu.memory_space<hbm>>
      %dma_start3A_49 = tpu.memref_squeeze %dma_start3A_48 : memref<1x1x40x128xi32, #tpu.memory_space<hbm>> -> memref<40x128xi32, #tpu.memory_space<hbm>>
      %dma_start3A_50 = arith.constant 40 : i32
      %dma_start3A_51 = arith.constant 0 : i32
      %dma_start3A_52 = tpu.memref_slice %arg3[%arg0, %arg1, %dma_start3A_50, %dma_start3A_51] : memref<2x16x80x128xi32, #tpu.memory_space<hbm>> -> memref<1x1x40x128xi32, #tpu.memory_space<hbm>>
      %dma_start3A_53 = tpu.memref_squeeze %dma_start3A_52 : memref<1x1x40x128xi32, #tpu.memory_space<hbm>> -> memref<40x128xi32, #tpu.memory_space<hbm>>
      tpu.enqueue_dma source(%dma_start3A_53 : memref<40x128xi32, #tpu.memory_space<hbm>>) target(%arg7 : memref<40x128xi32, #tpu.memory_space<vmem>>) target_semaphore(%run_scoped3A : memref<!tpu.dma_semaphore, #tpu.memory_space<semaphore_mem>>)
      %dma_wait3A = arith.constant 40 : i32
      %dma_wait3A_54 = arith.constant 0 : i32
      %dma_wait3A_55 = tpu.memref_slice %arg3[%arg0, %arg1, %dma_wait3A, %dma_wait3A_54] : memref<2x16x80x128xi32, #tpu.memory_space<hbm>> -> memref<1x1x40x128xi32, #tpu.memory_space<hbm>>
      %dma_wait3A_56 = tpu.memref_squeeze %dma_wait3A_55 : memref<1x1x40x128xi32, #tpu.memory_space<hbm>> -> memref<40x128xi32, #tpu.memory_space<hbm>>
      %dma_wait3A_57 = arith.constant 40 : i32
      %dma_wait3A_58 = arith.constant 0 : i32
      %dma_wait3A_59 = tpu.memref_slice %arg3[%arg0, %arg1, %dma_wait3A_57, %dma_wait3A_58] : memref<2x16x80x128xi32, #tpu.memory_space<hbm>> -> memref<1x1x40x128xi32, #tpu.memory_space<hbm>>
      %dma_wait3A_60 = tpu.memref_squeeze %dma_wait3A_59 : memref<1x1x40x128xi32, #tpu.memory_space<hbm>> -> memref<40x128xi32, #tpu.memory_space<hbm>>
      tpu.wait_dma2 semaphore(%run_scoped3A : memref<!tpu.dma_semaphore, #tpu.memory_space<semaphore_mem>>) src(%dma_wait3A_60 : memref<40x128xi32, #tpu.memory_space<hbm>>) dst(%arg7 : memref<40x128xi32, #tpu.memory_space<vmem>>)
      tpu.yield
    }) : () -> ()
    "tpu.region"() ({
      %run_scoped3A = tpu.sem_alloc : memref<!tpu.dma_semaphore, #tpu.memory_space<semaphore_mem>>
      %dma_start3A_46 = arith.constant 40 : i32
      %dma_start3A_47 = arith.constant 0 : i32
      %dma_start3A_48 = tpu.memref_slice %arg4[%arg0, %arg1, %dma_start3A_46, %dma_start3A_47] : memref<2x16x80x128xi32, #tpu.memory_space<hbm>> -> memref<1x1x40x128xi32, #tpu.memory_space<hbm>>
      %dma_start3A_49 = tpu.memref_squeeze %dma_start3A_48 : memref<1x1x40x128xi32, #tpu.memory_space<hbm>> -> memref<40x128xi32, #tpu.memory_space<hbm>>
      %dma_start3A_50 = arith.constant 40 : i32
      %dma_start3A_51 = arith.constant 0 : i32
      %dma_start3A_52 = tpu.memref_slice %arg4[%arg0, %arg1, %dma_start3A_50, %dma_start3A_51] : memref<2x16x80x128xi32, #tpu.memory_space<hbm>> -> memref<1x1x40x128xi32, #tpu.memory_space<hbm>>
      %dma_start3A_53 = tpu.memref_squeeze %dma_start3A_52 : memref<1x1x40x128xi32, #tpu.memory_space<hbm>> -> memref<40x128xi32, #tpu.memory_space<hbm>>
      tpu.enqueue_dma source(%dma_start3A_53 : memref<40x128xi32, #tpu.memory_space<hbm>>) target(%arg8 : memref<40x128xi32, #tpu.memory_space<vmem>>) target_semaphore(%run_scoped3A : memref<!tpu.dma_semaphore, #tpu.memory_space<semaphore_mem>>)
      %dma_wait3A = arith.constant 40 : i32
      %dma_wait3A_54 = arith.constant 0 : i32
      %dma_wait3A_55 = tpu.memref_slice %arg4[%arg0, %arg1, %dma_wait3A, %dma_wait3A_54] : memref<2x16x80x128xi32, #tpu.memory_space<hbm>> -> memref<1x1x40x128xi32, #tpu.memory_space<hbm>>
      %dma_wait3A_56 = tpu.memref_squeeze %dma_wait3A_55 : memref<1x1x40x128xi32, #tpu.memory_space<hbm>> -> memref<40x128xi32, #tpu.memory_space<hbm>>
      %dma_wait3A_57 = arith.constant 40 : i32
      %dma_wait3A_58 = arith.constant 0 : i32
      %dma_wait3A_59 = tpu.memref_slice %arg4[%arg0, %arg1, %dma_wait3A_57, %dma_wait3A_58] : memref<2x16x80x128xi32, #tpu.memory_space<hbm>> -> memref<1x1x40x128xi32, #tpu.memory_space<hbm>>
      %dma_wait3A_60 = tpu.memref_squeeze %dma_wait3A_59 : memref<1x1x40x128xi32, #tpu.memory_space<hbm>> -> memref<40x128xi32, #tpu.memory_space<hbm>>
      tpu.wait_dma2 semaphore(%run_scoped3A : memref<!tpu.dma_semaphore, #tpu.memory_space<semaphore_mem>>) src(%dma_wait3A_60 : memref<40x128xi32, #tpu.memory_space<hbm>>) dst(%arg8 : memref<40x128xi32, #tpu.memory_space<vmem>>)
      tpu.yield
    }) : () -> ()
    %dma_start3A_21 = arith.constant 0 : i32
    %dma_start3A_22 = arith.constant 0 : i32
    %dma_start3A_23 = tpu.memref_slice %arg7[%dma_start3A_21, %dma_start3A_22] : memref<40x128xi32, #tpu.memory_space<vmem>> -> memref<1x128xi32, #tpu.memory_space<vmem>>
    %dma_start3A_24 = tpu.memref_squeeze %dma_start3A_23 : memref<1x128xi32, #tpu.memory_space<vmem>> -> memref<128xi32, #tpu.memory_space<vmem>>
    %dma_start3A_25 = arith.constant 0 : i32
    %dma_start3A_26 = arith.constant 0 : i32
    %dma_start3A_27 = tpu.memref_slice %arg2[%dma_start3A_25, %dma_start3A_26] : memref<10112x64xf32, #tpu.memory_space<hbm>> -> memref<10112x64xf32, #tpu.memory_space<hbm>>
    tpu.enqueue_indirect_dma source(%dma_start3A_27 : memref<10112x64xf32, #tpu.memory_space<hbm>>) target(%arg9 : memref<128x64xf32, #tpu.memory_space<vmem>>) offsets(%dma_start3A_24 : memref<128xi32, #tpu.memory_space<vmem>>) semaphore(%arg12 : memref<!tpu.dma_semaphore, #tpu.memory_space<semaphore_mem>>)
    %dma_start3A_28 = arith.constant 1 : i32
    %dma_start3A_29 = arith.constant 0 : i32
    %dma_start3A_30 = tpu.memref_slice %arg7[%dma_start3A_28, %dma_start3A_29] : memref<40x128xi32, #tpu.memory_space<vmem>> -> memref<1x128xi32, #tpu.memory_space<vmem>>
    %dma_start3A_31 = tpu.memref_squeeze %dma_start3A_30 : memref<1x128xi32, #tpu.memory_space<vmem>> -> memref<128xi32, #tpu.memory_space<vmem>>
    %dma_start3A_32 = arith.constant 0 : i32
    %dma_start3A_33 = arith.constant 0 : i32
    %dma_start3A_34 = tpu.memref_slice %arg2[%dma_start3A_32, %dma_start3A_33] : memref<10112x64xf32, #tpu.memory_space<hbm>> -> memref<10112x64xf32, #tpu.memory_space<hbm>>
    tpu.enqueue_indirect_dma source(%dma_start3A_34 : memref<10112x64xf32, #tpu.memory_space<hbm>>) target(%arg10 : memref<128x64xf32, #tpu.memory_space<vmem>>) offsets(%dma_start3A_31 : memref<128xi32, #tpu.memory_space<vmem>>) semaphore(%arg13 : memref<!tpu.dma_semaphore, #tpu.memory_space<semaphore_mem>>)
    %scan3A_35 = arith.constant 0 : i32
    %scan3A_36 = arith.constant 0 : i32
    %scan3A_37 = arith.constant 20 : i32
    %scan3A_38 = arith.addi %scan3A_36, %scan3A_37 : i32
    %scan3A_39 = arith.constant 1 : i32
    scf.for %scan3A_46 = %scan3A_36 to %scan3A_38 step %scan3A_39  : i32 {
      %mul3A_47 = arith.constant 2 : i32
      %mul3A_48 = arith.muli %mul3A_47, %scan3A_46 : i32
      %add3A = arith.constant 1 : i32
      %add3A_49 = arith.addi %mul3A_48, %add3A : i32
      %dma_wait3A = arith.constant 0 : i32
      %dma_wait3A_50 = arith.constant 0 : i32
      %dma_wait3A_51 = tpu.memref_slice %arg7[%dma_wait3A, %dma_wait3A_50] : memref<40x128xi32, #tpu.memory_space<vmem>> -> memref<1x128xi32, #tpu.memory_space<vmem>>
      %dma_wait3A_52 = tpu.memref_squeeze %dma_wait3A_51 : memref<1x128xi32, #tpu.memory_space<vmem>> -> memref<128xi32, #tpu.memory_space<vmem>>
      %dma_wait3A_53 = arith.constant 0 : i32
      %dma_wait3A_54 = arith.constant 0 : i32
      %dma_wait3A_55 = tpu.memref_slice %arg2[%dma_wait3A_53, %dma_wait3A_54] : memref<10112x64xf32, #tpu.memory_space<hbm>> -> memref<10112x64xf32, #tpu.memory_space<hbm>>
      tpu.wait_indirect_dma semaphore(%arg12 : memref<!tpu.dma_semaphore, #tpu.memory_space<semaphore_mem>>) src(%dma_wait3A_55 : memref<10112x64xf32, #tpu.memory_space<hbm>>) dst(%arg9 : memref<128x64xf32, #tpu.memory_space<vmem>>)
      "tpu.region"() ({
        %run_scoped3A = tpu.sem_alloc : memref<!tpu.dma_semaphore, #tpu.memory_space<semaphore_mem>>
        %dma_start3A_74 = arith.constant 0 : i32
        %dma_start3A_75 = tpu.memref_slice %arg8[%mul3A_48, %dma_start3A_74] : memref<40x128xi32, #tpu.memory_space<vmem>> -> memref<1x128xi32, #tpu.memory_space<vmem>>
        %dma_start3A_76 = tpu.memref_squeeze %dma_start3A_75 : memref<1x128xi32, #tpu.memory_space<vmem>> -> memref<128xi32, #tpu.memory_space<vmem>>
        %dma_start3A_77 = arith.constant 0 : i32
        %dma_start3A_78 = arith.constant 0 : i32
        %dma_start3A_79 = tpu.memref_slice %arg11[%dma_start3A_77, %dma_start3A_78] : memref<10112x64xf32, #tpu.memory_space<vmem_shared>> -> memref<10112x64xf32, #tpu.memory_space<vmem_shared>>
        tpu.enqueue_indirect_dma source(%arg9 : memref<128x64xf32, #tpu.memory_space<vmem>>) target(%dma_start3A_79 : memref<10112x64xf32, #tpu.memory_space<vmem_shared>>) offsets(%dma_start3A_76 : memref<128xi32, #tpu.memory_space<vmem>>) semaphore(%run_scoped3A : memref<!tpu.dma_semaphore, #tpu.memory_space<semaphore_mem>>) {add = true}
        %dma_wait3A_80 = arith.constant 0 : i32
        %dma_wait3A_81 = tpu.memref_slice %arg8[%mul3A_48, %dma_wait3A_80] : memref<40x128xi32, #tpu.memory_space<vmem>> -> memref<1x128xi32, #tpu.memory_space<vmem>>
        %dma_wait3A_82 = tpu.memref_squeeze %dma_wait3A_81 : memref<1x128xi32, #tpu.memory_space<vmem>> -> memref<128xi32, #tpu.memory_space<vmem>>
        %dma_wait3A_83 = arith.constant 0 : i32
        %dma_wait3A_84 = arith.constant 0 : i32
        %dma_wait3A_85 = tpu.memref_slice %arg11[%dma_wait3A_83, %dma_wait3A_84] : memref<10112x64xf32, #tpu.memory_space<vmem_shared>> -> memref<10112x64xf32, #tpu.memory_space<vmem_shared>>
        tpu.wait_indirect_dma semaphore(%run_scoped3A : memref<!tpu.dma_semaphore, #tpu.memory_space<semaphore_mem>>) src(%arg9 : memref<128x64xf32, #tpu.memory_space<vmem>>) dst(%dma_wait3A_85 : memref<10112x64xf32, #tpu.memory_space<vmem_shared>>)
        tpu.yield
      }) : () -> ()
      %add3A_56 = arith.constant 1 : i32
      %add3A_57 = arith.addi %add3A_49, %add3A_56 : i32
      %lt3A = arith.constant 40 : i32
      %lt3A_58 = arith.cmpi slt, %add3A_57, %lt3A : i32
      %convert_element_type3A = arith.extui %lt3A_58 : i1 to i32
      %cond3A = arith.constant 0 : i32
      %cond3A_59 = arith.cmpi ne, %convert_element_type3A, %cond3A : i32
      scf.if %cond3A_59 {
        %add3A_74 = arith.constant 1 : i32
        %add3A_75 = arith.addi %add3A_49, %add3A_74 : i32
        %dma_start3A_76 = arith.constant 0 : i32
        %dma_start3A_77 = tpu.memref_slice %arg7[%add3A_75, %dma_start3A_76] : memref<40x128xi32, #tpu.memory_space<vmem>> -> memref<1x128xi32, #tpu.memory_space<vmem>>
        %dma_start3A_78 = tpu.memref_squeeze %dma_start3A_77 : memref<1x128xi32, #tpu.memory_space<vmem>> -> memref<128xi32, #tpu.memory_space<vmem>>
        %dma_start3A_79 = arith.constant 0 : i32
        %dma_start3A_80 = arith.constant 0 : i32
        %dma_start3A_81 = tpu.memref_slice %arg2[%dma_start3A_79, %dma_start3A_80] : memref<10112x64xf32, #tpu.memory_space<hbm>> -> memref<10112x64xf32, #tpu.memory_space<hbm>>
        tpu.enqueue_indirect_dma source(%dma_start3A_81 : memref<10112x64xf32, #tpu.memory_space<hbm>>) target(%arg9 : memref<128x64xf32, #tpu.memory_space<vmem>>) offsets(%dma_start3A_78 : memref<128xi32, #tpu.memory_space<vmem>>) semaphore(%arg12 : memref<!tpu.dma_semaphore, #tpu.memory_space<semaphore_mem>>)
      } else {
      }
      %dma_wait3A_60 = arith.constant 0 : i32
      %dma_wait3A_61 = arith.constant 0 : i32
      %dma_wait3A_62 = tpu.memref_slice %arg7[%dma_wait3A_60, %dma_wait3A_61] : memref<40x128xi32, #tpu.memory_space<vmem>> -> memref<1x128xi32, #tpu.memory_space<vmem>>
      %dma_wait3A_63 = tpu.memref_squeeze %dma_wait3A_62 : memref<1x128xi32, #tpu.memory_space<vmem>> -> memref<128xi32, #tpu.memory_space<vmem>>
      %dma_wait3A_64 = arith.constant 0 : i32
      %dma_wait3A_65 = arith.constant 0 : i32
      %dma_wait3A_66 = tpu.memref_slice %arg2[%dma_wait3A_64, %dma_wait3A_65] : memref<10112x64xf32, #tpu.memory_space<hbm>> -> memref<10112x64xf32, #tpu.memory_space<hbm>>
      tpu.wait_indirect_dma semaphore(%arg13 : memref<!tpu.dma_semaphore, #tpu.memory_space<semaphore_mem>>) src(%dma_wait3A_66 : memref<10112x64xf32, #tpu.memory_space<hbm>>) dst(%arg10 : memref<128x64xf32, #tpu.memory_space<vmem>>)
      "tpu.region"() ({
        %run_scoped3A = tpu.sem_alloc : memref<!tpu.dma_semaphore, #tpu.memory_space<semaphore_mem>>
        %dma_start3A_74 = arith.constant 0 : i32
        %dma_start3A_75 = tpu.memref_slice %arg8[%add3A_49, %dma_start3A_74] : memref<40x128xi32, #tpu.memory_space<vmem>> -> memref<1x128xi32, #tpu.memory_space<vmem>>
        %dma_start3A_76 = tpu.memref_squeeze %dma_start3A_75 : memref<1x128xi32, #tpu.memory_space<vmem>> -> memref<128xi32, #tpu.memory_space<vmem>>
        %dma_start3A_77 = arith.constant 0 : i32
        %dma_start3A_78 = arith.constant 0 : i32
        %dma_start3A_79 = tpu.memref_slice %arg11[%dma_start3A_77, %dma_start3A_78] : memref<10112x64xf32, #tpu.memory_space<vmem_shared>> -> memref<10112x64xf32, #tpu.memory_space<vmem_shared>>
        tpu.enqueue_indirect_dma source(%arg10 : memref<128x64xf32, #tpu.memory_space<vmem>>) target(%dma_start3A_79 : memref<10112x64xf32, #tpu.memory_space<vmem_shared>>) offsets(%dma_start3A_76 : memref<128xi32, #tpu.memory_space<vmem>>) semaphore(%run_scoped3A : memref<!tpu.dma_semaphore, #tpu.memory_space<semaphore_mem>>) {add = true}
        %dma_wait3A_80 = arith.constant 0 : i32
        %dma_wait3A_81 = tpu.memref_slice %arg8[%add3A_49, %dma_wait3A_80] : memref<40x128xi32, #tpu.memory_space<vmem>> -> memref<1x128xi32, #tpu.memory_space<vmem>>
        %dma_wait3A_82 = tpu.memref_squeeze %dma_wait3A_81 : memref<1x128xi32, #tpu.memory_space<vmem>> -> memref<128xi32, #tpu.memory_space<vmem>>
        %dma_wait3A_83 = arith.constant 0 : i32
        %dma_wait3A_84 = arith.constant 0 : i32
        %dma_wait3A_85 = tpu.memref_slice %arg11[%dma_wait3A_83, %dma_wait3A_84] : memref<10112x64xf32, #tpu.memory_space<vmem_shared>> -> memref<10112x64xf32, #tpu.memory_space<vmem_shared>>
        tpu.wait_indirect_dma semaphore(%run_scoped3A : memref<!tpu.dma_semaphore, #tpu.memory_space<semaphore_mem>>) src(%arg10 : memref<128x64xf32, #tpu.memory_space<vmem>>) dst(%dma_wait3A_85 : memref<10112x64xf32, #tpu.memory_space<vmem_shared>>)
        tpu.yield
      }) : () -> ()
      %add3A_67 = arith.constant 2 : i32
      %add3A_68 = arith.addi %add3A_49, %add3A_67 : i32
      %lt3A_69 = arith.constant 40 : i32
      %lt3A_70 = arith.cmpi slt, %add3A_68, %lt3A_69 : i32
      %convert_element_type3A_71 = arith.extui %lt3A_70 : i1 to i32
      %cond3A_72 = arith.constant 0 : i32
      %cond3A_73 = arith.cmpi ne, %convert_element_type3A_71, %cond3A_72 : i32
      scf.if %cond3A_73 {
        %add3A_74 = arith.constant 2 : i32
        %add3A_75 = arith.addi %add3A_49, %add3A_74 : i32
        %dma_start3A_76 = arith.constant 0 : i32
        %dma_start3A_77 = tpu.memref_slice %arg7[%add3A_75, %dma_start3A_76] : memref<40x128xi32, #tpu.memory_space<vmem>> -> memref<1x128xi32, #tpu.memory_space<vmem>>
        %dma_start3A_78 = tpu.memref_squeeze %dma_start3A_77 : memref<1x128xi32, #tpu.memory_space<vmem>> -> memref<128xi32, #tpu.memory_space<vmem>>
        %dma_start3A_79 = arith.constant 0 : i32
        %dma_start3A_80 = arith.constant 0 : i32
        %dma_start3A_81 = tpu.memref_slice %arg2[%dma_start3A_79, %dma_start3A_80] : memref<10112x64xf32, #tpu.memory_space<hbm>> -> memref<10112x64xf32, #tpu.memory_space<hbm>>
        tpu.enqueue_indirect_dma source(%dma_start3A_81 : memref<10112x64xf32, #tpu.memory_space<hbm>>) target(%arg10 : memref<128x64xf32, #tpu.memory_space<vmem>>) offsets(%dma_start3A_78 : memref<128xi32, #tpu.memory_space<vmem>>) semaphore(%arg13 : memref<!tpu.dma_semaphore, #tpu.memory_space<semaphore_mem>>)
      } else {
      }
    }
    %scan3A_40 = arith.constant 20 : i32
    %barrier3A_41 = arith.constant 0 : index
    tpu.barrier barrier_id(%barrier3A_41)
    %mul3A_42 = arith.constant 632 : i32
    %mul3A_43 = arith.muli %arg1, %mul3A_42 : i32
    %mul3A_44 = arith.constant 632 : i32
    %mul3A_45 = arith.muli %arg1, %mul3A_44 : i32
    "tpu.region"() ({
      %run_scoped3A = tpu.sem_alloc : memref<!tpu.dma_semaphore, #tpu.memory_space<semaphore_mem>>
      %dma_start3A_46 = arith.constant 0 : i32
      %dma_start3A_47 = tpu.memref_slice %arg6[%arg0, %mul3A_45, %dma_start3A_46] : memref<2x10112x64xf32, #tpu.memory_space<hbm>> -> memref<1x632x64xf32, #tpu.memory_space<hbm>>
      %dma_start3A_48 = tpu.memref_squeeze %dma_start3A_47 : memref<1x632x64xf32, #tpu.memory_space<hbm>> -> memref<632x64xf32, #tpu.memory_space<hbm>>
      %dma_start3A_49 = arith.constant 0 : i32
      %dma_start3A_50 = tpu.memref_slice %arg11[%mul3A_43, %dma_start3A_49] : memref<10112x64xf32, #tpu.memory_space<vmem_shared>> -> memref<632x64xf32, #tpu.memory_space<vmem_shared>>
      tpu.enqueue_dma source(%dma_start3A_50 : memref<632x64xf32, #tpu.memory_space<vmem_shared>>) target(%dma_start3A_48 : memref<632x64xf32, #tpu.memory_space<hbm>>) target_semaphore(%run_scoped3A : memref<!tpu.dma_semaphore, #tpu.memory_space<semaphore_mem>>)
      %dma_wait3A = arith.constant 0 : i32
      %dma_wait3A_51 = tpu.memref_slice %arg6[%arg0, %mul3A_45, %dma_wait3A] : memref<2x10112x64xf32, #tpu.memory_space<hbm>> -> memref<1x632x64xf32, #tpu.memory_space<hbm>>
      %dma_wait3A_52 = tpu.memref_squeeze %dma_wait3A_51 : memref<1x632x64xf32, #tpu.memory_space<hbm>> -> memref<632x64xf32, #tpu.memory_space<hbm>>
      %dma_wait3A_53 = arith.constant 0 : i32
      %dma_wait3A_54 = tpu.memref_slice %arg11[%mul3A_43, %dma_wait3A_53] : memref<10112x64xf32, #tpu.memory_space<vmem_shared>> -> memref<632x64xf32, #tpu.memory_space<vmem_shared>>
      tpu.wait_dma2 semaphore(%run_scoped3A : memref<!tpu.dma_semaphore, #tpu.memory_space<semaphore_mem>>) src(%dma_wait3A_54 : memref<632x64xf32, #tpu.memory_space<vmem_shared>>) dst(%dma_wait3A_52 : memref<632x64xf32, #tpu.memory_space<hbm>>)
      tpu.yield
    }) : () -> ()
    return
  }
}

module attributes {stable_mosaic.version = 14 : i64} {
  func.func @_tc_pre_body(%arg0: memref<10112x128xf32, #tpu.memory_space<vmem>>, %arg1: memref<128x128xf32, #tpu.memory_space<vmem>>, %arg2: memref<10112x32xf32, #tpu.memory_space<vmem>>, %arg3: memref<10112x128xf32, #tpu.memory_space<vmem>>) attributes {dimension_semantics = [], scalar_prefetch = 0 : i64, scratch_operands = 0 : i64, tpu.core_type = #tpu.core_type<tc>} {
    %get3A = arith.constant 0 : index
    %get3A_0 = arith.constant 0 : index
    %get3A_1 = vector.load %arg2[%get3A, %get3A_0] : memref<10112x32xf32, #tpu.memory_space<vmem>>, vector<10112x32xf32>
    %reduce_sum3A = arith.constant dense<0.000000e+00> : vector<10112xf32>
    %reduce_sum3A_2 = vector.multi_reduction <add>, %get3A_1, %reduce_sum3A [1] : vector<10112x32xf32> to vector<10112xf32>
    %broadcast_in_dim3A = vector.shape_cast %reduce_sum3A_2 : vector<10112xf32> to vector<10112x1xf32>
    %add3A = arith.constant 1.000000e+00 : f32
    %add3A_3 = vector.broadcast %add3A : f32 to vector<10112x1xf32>
    %add3A_4 = arith.addf %broadcast_in_dim3A, %add3A_3 : vector<10112x1xf32>
    %rsqrt3A = math.rsqrt %add3A_4 : vector<10112x1xf32>
    %get3A_5 = arith.constant 0 : index
    %get3A_6 = arith.constant 0 : index
    %get3A_7 = vector.load %arg0[%get3A_5, %get3A_6] : memref<10112x128xf32, #tpu.memory_space<vmem>>, vector<10112x128xf32>
    %get3A_8 = arith.constant 0 : index
    %get3A_9 = arith.constant 0 : index
    %get3A_10 = vector.load %arg1[%get3A_8, %get3A_9] : memref<128x128xf32, #tpu.memory_space<vmem>>, vector<128x128xf32>
    %dot_general3A = arith.constant dense<0.000000e+00> : vector<10112x128xf32>
    %dot_general3A_11 = tpu.matmul %get3A_7, %get3A_10, %dot_general3A {dimension_numbers = #tpu.dot_dimension_numbers<[1], [1], [0], [0], [0, 0, 1, 0], [], []>, transpose_lhs_hint = false} : vector<10112x128xf32>, vector<128x128xf32>, vector<10112x128xf32> -> vector<10112x128xf32>
    %mul3A = vector.broadcast %rsqrt3A : vector<10112x1xf32> to vector<10112x128xf32>
    %mul3A_12 = arith.mulf %dot_general3A_11, %mul3A : vector<10112x128xf32>
    %swap3A = arith.constant 0 : index
    %swap3A_13 = arith.constant 0 : index
    %swap3A_14 = vector.load %arg3[%swap3A, %swap3A_13] : memref<10112x128xf32, #tpu.memory_space<vmem>>, vector<10112x128xf32>
    tpu.vector_store %arg3[%swap3A, %swap3A_13], %mul3A_12 {strides = array<i32>} : memref<10112x128xf32, #tpu.memory_space<vmem>>, vector<10112x128xf32>,
    return
  }
}

module attributes {stable_mosaic.version = 14 : i64} {
  func.func @_tc_mid_body(%arg0: memref<2x10112x128xf32, #tpu.memory_space<vmem>>, %arg1: memref<10112x128xf32, #tpu.memory_space<vmem>>, %arg2: memref<10112x32xf32, #tpu.memory_space<vmem>>, %arg3: memref<64x128xf32, #tpu.memory_space<vmem>>, %arg4: memref<1x128xf32, #tpu.memory_space<vmem>>, %arg5: memref<10112x64xf32, #tpu.memory_space<vmem>>) attributes {dimension_semantics = [], scalar_prefetch = 0 : i64, scratch_operands = 0 : i64, tpu.core_type = #tpu.core_type<tc>} {
    %get3A = arith.constant 0 : index
    %get3A_0 = arith.constant 0 : index
    %get3A_1 = vector.load %arg2[%get3A, %get3A_0] : memref<10112x32xf32, #tpu.memory_space<vmem>>, vector<10112x32xf32>
    %reduce_sum3A = arith.constant dense<0.000000e+00> : vector<10112xf32>
    %reduce_sum3A_2 = vector.multi_reduction <add>, %get3A_1, %reduce_sum3A [1] : vector<10112x32xf32> to vector<10112xf32>
    %broadcast_in_dim3A = vector.shape_cast %reduce_sum3A_2 : vector<10112xf32> to vector<10112x1xf32>
    %add3A = arith.constant 1.000000e+00 : f32
    %add3A_3 = vector.broadcast %add3A : f32 to vector<10112x1xf32>
    %add3A_4 = arith.addf %broadcast_in_dim3A, %add3A_3 : vector<10112x1xf32>
    %rsqrt3A = math.rsqrt %add3A_4 : vector<10112x1xf32>
    %get3A_5 = arith.constant 0 : index
    %get3A_6 = arith.constant 0 : index
    %get3A_7 = arith.constant 0 : index
    %get3A_8 = vector.load %arg0[%get3A_5, %get3A_6, %get3A_7] : memref<2x10112x128xf32, #tpu.memory_space<vmem>>, vector<1x10112x128xf32>
    %get3A_9 = vector.shape_cast %get3A_8 : vector<1x10112x128xf32> to vector<10112x128xf32>
    %get3A_10 = arith.constant 1 : index
    %get3A_11 = arith.constant 0 : index
    %get3A_12 = arith.constant 0 : index
    %get3A_13 = vector.load %arg0[%get3A_10, %get3A_11, %get3A_12] : memref<2x10112x128xf32, #tpu.memory_space<vmem>>, vector<1x10112x128xf32>
    %get3A_14 = vector.shape_cast %get3A_13 : vector<1x10112x128xf32> to vector<10112x128xf32>
    %add3A_15 = arith.addf %get3A_9, %get3A_14 : vector<10112x128xf32>
    %get3A_16 = arith.constant 0 : index
    %get3A_17 = arith.constant 0 : index
    %get3A_18 = vector.load %arg1[%get3A_16, %get3A_17] : memref<10112x128xf32, #tpu.memory_space<vmem>>, vector<10112x128xf32>
    %add3A_19 = arith.addf %add3A_15, %get3A_18 : vector<10112x128xf32>
    %mul3A = vector.broadcast %rsqrt3A : vector<10112x1xf32> to vector<10112x128xf32>
    %mul3A_20 = arith.mulf %mul3A, %add3A_19 : vector<10112x128xf32>
    %get3A_21 = arith.constant 0 : index
    %get3A_22 = arith.constant 0 : index
    %get3A_23 = vector.load %arg4[%get3A_21, %get3A_22] : memref<1x128xf32, #tpu.memory_space<vmem>>, vector<1x128xf32>
    %add3A_24 = vector.broadcast %get3A_23 : vector<1x128xf32> to vector<10112x128xf32>
    %add3A_25 = arith.addf %mul3A_20, %add3A_24 : vector<10112x128xf32>
    %max3A = arith.constant 0.000000e+00 : f32
    %max3A_26 = vector.broadcast %max3A : f32 to vector<10112x128xf32>
    %max3A_27 = arith.maximumf %add3A_25, %max3A_26 : vector<10112x128xf32>
    %get3A_28 = arith.constant 0 : index
    %get3A_29 = arith.constant 0 : index
    %get3A_30 = vector.load %arg3[%get3A_28, %get3A_29] : memref<64x128xf32, #tpu.memory_space<vmem>>, vector<64x128xf32>
    %dot_general3A = arith.constant dense<0.000000e+00> : vector<10112x64xf32>
    %dot_general3A_31 = tpu.matmul %max3A_27, %get3A_30, %dot_general3A {dimension_numbers = #tpu.dot_dimension_numbers<[1], [1], [0], [0], [0, 0, 1, 0], [], []>, transpose_lhs_hint = false} : vector<10112x128xf32>, vector<64x128xf32>, vector<10112x64xf32> -> vector<10112x64xf32>
    %mul3A_32 = vector.broadcast %rsqrt3A : vector<10112x1xf32> to vector<10112x64xf32>
    %mul3A_33 = arith.mulf %dot_general3A_31, %mul3A_32 : vector<10112x64xf32>
    %swap3A = arith.constant 0 : index
    %swap3A_34 = arith.constant 0 : index
    %swap3A_35 = vector.load %arg5[%swap3A, %swap3A_34] : memref<10112x64xf32, #tpu.memory_space<vmem>>, vector<10112x64xf32>
    tpu.vector_store %arg5[%swap3A, %swap3A_34], %mul3A_33 {strides = array<i32>} : memref<10112x64xf32, #tpu.memory_space<vmem>>, vector<10112x64xf32>,
    return
  }
}

module attributes {stable_mosaic.version = 14 : i64} {
  func.func @_tc_post_body(%arg0: memref<2x10112x64xf32, #tpu.memory_space<vmem>>, %arg1: memref<10112x64xf32, #tpu.memory_space<vmem>>, %arg2: memref<10112x32xf32, #tpu.memory_space<vmem>>, %arg3: memref<1x64xf32, #tpu.memory_space<vmem>>, %arg4: memref<1x64xf32, #tpu.memory_space<vmem>>, %arg5: memref<1x1xf32, #tpu.memory_space<vmem>>, %arg6: memref<10112x1xf32, #tpu.memory_space<vmem>>) attributes {dimension_semantics = [], scalar_prefetch = 0 : i64, scratch_operands = 0 : i64, tpu.core_type = #tpu.core_type<tc>} {
    %get3A = arith.constant 0 : index
    %get3A_0 = arith.constant 0 : index
    %get3A_1 = vector.load %arg2[%get3A, %get3A_0] : memref<10112x32xf32, #tpu.memory_space<vmem>>, vector<10112x32xf32>
    %reduce_sum3A = arith.constant dense<0.000000e+00> : vector<10112xf32>
    %reduce_sum3A_2 = vector.multi_reduction <add>, %get3A_1, %reduce_sum3A [1] : vector<10112x32xf32> to vector<10112xf32>
    %broadcast_in_dim3A = vector.shape_cast %reduce_sum3A_2 : vector<10112xf32> to vector<10112x1xf32>
    %add3A = arith.constant 1.000000e+00 : f32
    %add3A_3 = vector.broadcast %add3A : f32 to vector<10112x1xf32>
    %add3A_4 = arith.addf %broadcast_in_dim3A, %add3A_3 : vector<10112x1xf32>
    %rsqrt3A = math.rsqrt %add3A_4 : vector<10112x1xf32>
    %get3A_5 = arith.constant 0 : index
    %get3A_6 = arith.constant 0 : index
    %get3A_7 = arith.constant 0 : index
    %get3A_8 = vector.load %arg0[%get3A_5, %get3A_6, %get3A_7] : memref<2x10112x64xf32, #tpu.memory_space<vmem>>, vector<1x10112x64xf32>
    %get3A_9 = vector.shape_cast %get3A_8 : vector<1x10112x64xf32> to vector<10112x64xf32>
    %get3A_10 = arith.constant 1 : index
    %get3A_11 = arith.constant 0 : index
    %get3A_12 = arith.constant 0 : index
    %get3A_13 = vector.load %arg0[%get3A_10, %get3A_11, %get3A_12] : memref<2x10112x64xf32, #tpu.memory_space<vmem>>, vector<1x10112x64xf32>
    %get3A_14 = vector.shape_cast %get3A_13 : vector<1x10112x64xf32> to vector<10112x64xf32>
    %add3A_15 = arith.addf %get3A_9, %get3A_14 : vector<10112x64xf32>
    %get3A_16 = arith.constant 0 : index
    %get3A_17 = arith.constant 0 : index
    %get3A_18 = vector.load %arg1[%get3A_16, %get3A_17] : memref<10112x64xf32, #tpu.memory_space<vmem>>, vector<10112x64xf32>
    %add3A_19 = arith.addf %add3A_15, %get3A_18 : vector<10112x64xf32>
    %mul3A = vector.broadcast %rsqrt3A : vector<10112x1xf32> to vector<10112x64xf32>
    %mul3A_20 = arith.mulf %mul3A, %add3A_19 : vector<10112x64xf32>
    %get3A_21 = arith.constant 0 : index
    %get3A_22 = arith.constant 0 : index
    %get3A_23 = vector.load %arg3[%get3A_21, %get3A_22] : memref<1x64xf32, #tpu.memory_space<vmem>>, vector<1x64xf32>
    %add3A_24 = vector.broadcast %get3A_23 : vector<1x64xf32> to vector<10112x64xf32>
    %add3A_25 = arith.addf %mul3A_20, %add3A_24 : vector<10112x64xf32>
    %max3A = arith.constant 0.000000e+00 : f32
    %max3A_26 = vector.broadcast %max3A : f32 to vector<10112x64xf32>
    %max3A_27 = arith.maximumf %add3A_25, %max3A_26 : vector<10112x64xf32>
    %convert_element_type3A = arith.truncf %max3A_27 : vector<10112x64xf32> to vector<10112x64xbf16>
    %convert_element_type3A_28 = arith.extf %convert_element_type3A : vector<10112x64xbf16> to vector<10112x64xf32>
    %get3A_29 = arith.constant 0 : index
    %get3A_30 = arith.constant 0 : index
    %get3A_31 = vector.load %arg4[%get3A_29, %get3A_30] : memref<1x64xf32, #tpu.memory_space<vmem>>, vector<1x64xf32>
    %convert_element_type3A_32 = arith.truncf %get3A_31 : vector<1x64xf32> to vector<1x64xbf16>
    %convert_element_type3A_33 = arith.extf %convert_element_type3A_32 : vector<1x64xbf16> to vector<1x64xf32>
    %mul3A_34 = vector.broadcast %convert_element_type3A_33 : vector<1x64xf32> to vector<10112x64xf32>
    %mul3A_35 = arith.mulf %convert_element_type3A_28, %mul3A_34 : vector<10112x64xf32>
    %reduce_sum3A_36 = arith.constant dense<0.000000e+00> : vector<10112xf32>
    %reduce_sum3A_37 = vector.multi_reduction <add>, %mul3A_35, %reduce_sum3A_36 [1] : vector<10112x64xf32> to vector<10112xf32>
    %broadcast_in_dim3A_38 = vector.shape_cast %reduce_sum3A_37 : vector<10112xf32> to vector<10112x1xf32>
    %get3A_39 = arith.constant 0 : index
    %get3A_40 = arith.constant 0 : index
    %get3A_41 = vector.load %arg5[%get3A_39, %get3A_40] : memref<1x1xf32, #tpu.memory_space<vmem>>, vector<1x1xf32>
    %add3A_42 = vector.broadcast %get3A_41 : vector<1x1xf32> to vector<10112x1xf32>
    %add3A_43 = arith.addf %broadcast_in_dim3A_38, %add3A_42 : vector<10112x1xf32>
    %swap3A = arith.constant 0 : index
    %swap3A_44 = arith.constant 0 : index
    %swap3A_45 = vector.load %arg6[%swap3A, %swap3A_44] : memref<10112x1xf32, #tpu.memory_space<vmem>>, vector<10112x1xf32>
    tpu.vector_store %arg6[%swap3A, %swap3A_44], %add3A_43 {strides = array<i32>} : memref<10112x1xf32, #tpu.memory_space<vmem>>, vector<10112x1xf32>,
    return
  }
}

</mosaic_0001>

<sc_bundles>
// kernel: kernel.11.cloned.1.call-start
scs
__scs_entry_jumppad:
0x0: {  	(pc) =	sbr.rel $0x88, $3  }
0x1: {  	(tag) =	ssettag $0x0;
	lr =	simm.s32 $0x1  }
0x2: {  	[smem:$0x3F99] =	sst lr;
	_ =	strace $0xD0000000  }
0x3: {  	_ = 	snop  }
0x4: {  	_ = 	snop  }
0x5: {  	_ = 	snop  }
0x6: {  	_ = 	snop  }
0x7: {  	_ = 	snop  }
__scs_overlays_trampoline_lowered:
0x8: {  	[smem:$0x3FA8] =	sst s0  }
0x9: {  	[smem:$0x3FA9] =	sst s1  }
0xa: {  	[smem:$0x3FAA] =	sst s2  }
0xb: {  	[smem:$0x3FAB] =	sst s3  }
0xc: {  	[smem:$0x3FAC] =	sst s4  }
0xd: {  	[smem:$0x3FAD] =	sst s5  }
0xe: {  	[smem:$0x3FAE] =	sst s6  }
0xf: {  	[smem:$0x3FAF] =	sst s7  }
0x10: {  	[smem:$0x3FB0] =	sst s8  }
0x11: {  	[smem:$0x3FB1] =	sst s9;
	s0 =	simm.s32 @!p0 $0x0  }
0x12: {  	s1 =	sld [smem:$0x3F97];
	s0 =	simm.s32 @p0 $0x1  }
0x13: {  	[smem:$0x3FB2] =	sst s0;
	s0 =	simm.s32 @!p1 $0x0  }
0x14: {  	s2 =	sld [smem:$0x3F96];
	s0 =	simm.s32 @p1 $0x1  }
0x15: {  	[smem:$0x3FB3] =	sst s0;
	s0 =	simm.s32 @!p2 $0x0  }
0x16: {  	s3 =	sld [smem:$0x3FDB];
	s0 =	simm.s32 @p2 $0x1  }
0x17: {  	s4 =	simm.s32 $0x1BF5;
	[smem:$0x3FB5] =	sst s0  }
0x18: {  	s0 =	sld [smem:$0x3F98];
	_ =	swait.ge [sflag:s4], $0x0  }
0x19: {  	s7 =	sld [smem:$0x3F99]  }
0x1a: {  	s8 =	sadd.s32 $0xFFFFE003, lr  }
0x1b: {  	s9 =	sadd.s32 $0xFFFFFEF7, lr;
	s5 =	simm.s32 $0xFFFFFFFF;
	p2 =	slt.u32 s8, $0xFFFFF086  }
0x1c: {  	p1 =	slt.u32 s9, $0xF7A;
	s5 =	simm.s32 @!p2 $0x0  }
0x1d: {  	s5 =	simm.s32 @p1 $0x1;
	p0 =	seq.s32 s7, s2  }
0x1e: {  	s7 =	smul.u32 @!p0 $0xF7A, s2;
	p2 =	seq.s32 @!p0 s5, $0x0  }
0x1f: {  	s9 =	smul.u32 $0xF7A, s1;
	s8 =	simm.s32 @!p0 $0x1BF5;
	p2 =	por !p2, p0  }
0x20: {  	[sflag:s8] =	ssyncset.s32 @!p0 $0xFFFFF086;
	s6 =	sadd.s32 @!p0 s3, s7;
	s7 =	simm.s32 @!p0 $0x108  }
0x21: {  	s3 =	sadd.s32 s3, s9;
	s6 =	sadd.s32 @!p0 $0x88, s6;
	s7 =	simm.s32 @p2 $0x1082  }
0x22: {  	[simem:s7], [sflag:s8] =	dma.local @!p0 [hbm:s6], $0xF7A  }
0x23: {  	s9 =	sor.u32 $0xD0000000, s2;
	s6 =	simm.s32 $0x108;
	_ =	swait.ge @!p0 [sflag:s8], $0x0  }
0x24: {  	s3 =	sadd.s32 $0x88, s3;
	s6 =	simm.s32 @!p1 $0x1082;
	[sflag:s4] =	ssyncset.s32 $0xFFFFF086  }
0x25: {  	[simem:s6], [sflag:s4] =	dma.local [hbm:s3], $0xF7A  }
0x26: {  	[smem:$0x3F99] =	sst s1;
	(tag) =	ssettag s2;
	_ =	strace s9  }
0x27: {  	s1 =	sld [smem:$0x3FA9]  }
0x28: {  	s2 =	sld [smem:$0x3FAA]  }
0x29: {  	s4 =	sld [smem:$0x3FAC]  }
0x2a: {  	p0 =	seq.s32 s5, $0x0;
	s5 =	sld [smem:$0x3FAD]  }
0x2b: {  	s6 =	sld [smem:$0x3FAE]  }
0x2c: {  	s7 =	sld [smem:$0x3FAF]  }
0x2d: {  	s3 =	simm.s32 $0x108;
	s8 =	sld [smem:$0x3FB0]  }
0x2e: {  	s3 =	simm.s32 @!p0 $0x1082;
	s9 =	sld [smem:$0x3FB1]  }
0x2f: {  	lr =	sadd.s32 s0, s3;
	s0 =	sld [smem:$0x3FA8]  }
0x30: {  	s3 =	sld [smem:$0x3FAB]  }
0x31: {  	[smem:$0x3FB4] =	sst s10  }
0x32: {  	s10 =	sld [smem:$0x3FB2];
	_ =	sdelay $0x3  }
0x33: {  	p0 =	seq.s32 s10, $0x1;
	s10 =	sld [smem:$0x3FB4];
	_ =	sdelay $0x3  }
0x34: {  	[smem:$0x3FB4] =	sst s10  }
0x35: {  	s10 =	sld [smem:$0x3FB3];
	_ =	sdelay $0x3  }
0x36: {  	p1 =	seq.s32 s10, $0x1;
	s10 =	sld [smem:$0x3FB4];
	_ =	sdelay $0x3  }
0x37: {  	[smem:$0x3FB4] =	sst s10  }
0x38: {  	s10 =	sld [smem:$0x3FB5]  }
0x39: {  	_ = 	snop;
	(pc) =	sbr.ind lr, $3  }
0x3a: {  	_ = 	snop  }
0x3b: {  	_ = 	snop  }
0x3c: {  	p2 =	seq.s32 s10, $0x1;
	s10 =	sld [smem:$0x3FB4]  }
0x3d: {  	_ =	shalt  }
0x3e: {  	_ =	shalt  }
0x3f: {  	_ =	shalt  }
0x40: {  	_ =	shalt  }
0x41: {  	_ =	shalt  }
0x42: {  	_ =	shalt  }
0x43: {  	_ =	shalt  }
0x44: {  	_ =	shalt  }
0x45: {  	_ =	shalt  }
0x46: {  	_ =	shalt  }
0x47: {  	_ =	shalt  }
0x48: {  	_ =	shalt  }
0x49: {  	_ =	shalt  }
0x4a: {  	_ =	shalt  }
0x4b: {  	_ =	shalt  }
0x4c: {  	_ =	shalt  }
0x4d: {  	_ =	shalt  }
0x4e: {  	_ =	shalt  }
0x4f: {  	_ =	shalt  }
0x50: {  	_ =	shalt  }
0x51: {  	_ =	shalt  }
0x52: {  	_ =	shalt  }
0x53: {  	_ =	shalt  }
0x54: {  	_ =	shalt  }
0x55: {  	_ =	shalt  }
0x56: {  	_ =	shalt  }
0x57: {  	_ =	shalt  }
0x58: {  	_ =	shalt  }
0x59: {  	_ =	shalt  }
0x5a: {  	_ =	shalt  }
0x5b: {  	_ =	shalt  }
0x5c: {  	_ =	shalt  }
0x5d: {  	_ =	shalt  }
0x5e: {  	_ =	shalt  }
0x5f: {  	_ =	shalt  }
0x60: {  	_ =	shalt  }
0x61: {  	_ =	shalt  }
0x62: {  	_ =	shalt  }
0x63: {  	_ =	shalt  }
0x64: {  	_ =	shalt  }
0x65: {  	_ =	shalt  }
0x66: {  	_ =	shalt  }
0x67: {  	_ =	shalt  }
0x68: {  	_ =	shalt  }
0x69: {  	_ =	shalt  }
0x6a: {  	_ =	shalt  }
0x6b: {  	_ =	shalt  }
0x6c: {  	_ =	shalt  }
0x6d: {  	_ =	shalt  }
0x6e: {  	_ =	shalt  }
0x6f: {  	_ =	shalt  }
0x70: {  	_ =	shalt  }
0x71: {  	_ =	shalt  }
0x72: {  	_ =	shalt  }
0x73: {  	_ =	shalt  }
0x74: {  	_ =	shalt  }
0x75: {  	_ =	shalt  }
0x76: {  	_ =	shalt  }
0x77: {  	_ =	shalt  }
0x78: {  	_ =	shalt  }
0x79: {  	_ =	shalt  }
0x7a: {  	_ =	shalt  }
0x7b: {  	_ =	shalt  }
0x7c: {  	_ =	shalt  }
0x7d: {  	_ =	shalt  }
0x7e: {  	_ =	shalt  }
0x7f: {  	_ =	shalt  }
0x80: {  	_ =	shalt  }
0x81: {  	_ =	shalt  }
0x82: {  	_ =	shalt  }
0x83: {  	_ =	shalt  }
0x84: {  	_ =	shalt  }
0x85: {  	_ =	shalt  }
0x86: {  	_ =	shalt  }
0x87: {  	_ =	shalt  }
.Lfunc_end0:
.L_simem_size_0:
called_computation.1_lowered:
.L_overlay_start_0:
0x88: {  	s2 =	sld [smem:$0x3FD9]  }
0x89: {  	s3 =	sld [smem:$0x3FFE];
	_ =	sdelay $0x1  }
0x8a: {  	s1 =	srdreg.scid  }
0x8b: {  	s0 =	sand.u32 $0x1, s1  }
0x8c: {  	s16 =	sshll.u32 s0, $0xA;
	s2 =	sadd.s32 s3, s2  }
0x8d: {  	s2 =	sadd.s32 s2, s16  }
0x8e: {  	[smem:$0x3FC0] =	sst s2  }
0x8f: {  	_ = 	snop  }
0x90: {  	(tm) =	ssettm $0x1  }
0x91: {  	s17 =	sld [smem:$0x3FFB];
	_ =	sdelay $0x3  }
0x92: {  	_ =	strace s17  }
0x93: {  	s2 =	sld [smem:$0x3FFC];
	_ =	sdelay $0x3  }
0x94: {  	_ =	strace s2  }
0x95: {  	s2 =	sld [smem:$0x3FFD];
	_ =	sdelay $0x3  }
0x96: {  	_ =	strace s2  }
0x97: {  	_ =	strace $0x8FFFFFFF  }
0x98: {  	s18 =	sld [smem:$0x3FDB];
	_ =	sdelay $0x1  }
0x99: {  	s19 =	simm.s32 $_scs_section_size  }
0x9a: {  	s4 =	simm.s32 $_size__tile_overlayer_lowered;
	s5 =	simm.s32 $_tile_overlayer_lowered  }
0x9b: {  	s22 =	simm.s32 $0x1BFF;
	s21 =	sshll.u32 s5, $0x1;
	s2 =	sadd.s32 s19, s18  }
0x9c: {  	s6 =	simm.s32 $0x0;
	s20 =	sshll.u32 s4, $0x1;
	s4 =	sadd.s32 s21, s2  }
0x9d: {  	[timem:s6], [sflag:s22] =	dma.local [hbm:s4], s20  }
0x9e: {  	_ =	swait.ge [sflag:s22], s20  }
0x9f: {  	s3 =	ssub.s32 $0x0, s20;
	[sflag:s22] =	ssyncset.done $0x0  }
0xa0: {  	[sflag:s22] =	ssyncadd.s32 s3;
	_ =	sdelay $0x1  }
0xa1: {  	s23 =	simm.s32 $0x1B8B  }
0xa2: {  	_ =	swait.ge [sflag:s23], $0x1  }
0xa3: {  	[sflag:s23] =	ssyncset.done $0x0  }
0xa4: {  	s25 =	simm.s32 $0x1B8E;
	s24 =	sld [smem:$0x3FFE];
	[sflag:s23] =	ssyncadd.s32 $0xFFFFFFFF  }
0xa5: {  	s26 =	simm.s32 $execute0_lowered;
	[smem:$0x3FD2] =	sst s25  }
0xa6: {  	s4 =	sshll.u32 s26, $0x1;
	_ =	strace $0x80000049;
	[dreg:$0x1] =	wrdreg $0xFFFFFFFF  }
0xa7: {  	s28 =	simm.s32 $_size_execute0_lowered;
	s2 =	sadd.s32 s2, s4;
	[dreg:$0x0] =	wrdreg $0x0  }
0xa8: {  	s4 =	sshll.u32 s28, $0x1;
	[dreg:$0x2] =	wrdreg s2  }
0xa9: {  	[dreg:$0x3] =	wrdreg s4  }
0xaa: {  	[dreg:$0x4] =	wrdreg $0xC0  }
0xab: {  	_ =	task [dreg:s6], $0x5FFFF  }
0xac: {  	[dreg:$0x1] =	wrdreg $0xFFFFFFFF  }
0xad: {  	[dreg:$0x0] =	wrdreg $0x60  }
0xae: {  	[dreg:$0x2] =	wrdreg s24  }
0xaf: {  	[dreg:$0x3] =	wrdreg $0xA8000  }
0xb0: {  	[dreg:$0x4] =	wrdreg $0x9  }
0xb1: {  	_ =	task.clear_ibuf [dreg:s6], $0x5FFFF;
	_ =	strace $0x90000049  }
0xb2: {  	s29 =	simm.s32 $0x9;
	_ =	strace $0x8000004B  }
0xb3: {  	_ =	swait.ge [sflag:s29], $0x1  }
0xb4: {  	[sflag:s29] =	ssyncadd.s32 $0xFFFFFFFF  }
0xb5: {  	_ =	strace $0x9000004B  }
0xb6: {  	_ =	sfence  }
0xb7: {  	s30 =	sld [smem:$0x0];
	_ =	sdelay $0x2  }
0xb8: {  	s31 =	sshll.u32 s1, $0xD;
	s1 =	sshrl.u32 s1, $0x2  }
0xb9: {  	s3 =	sand.u32 $0x4000, s31;
	s1 =	sadd.s32 s1, s30  }
0xba: {  	s0 =	sor.u32 s3, s0;
	s1 =	sshll.u32 s1, $0x11  }
0xbb: {  	s0 =	sor.u32 s1, s0  }
0xbc: {  	s0 =	sadd.s32 $0x8F2B, s0  }
0xbd: {  	[sflag:s0] =	ssyncadd.remote.s32 $0x1  }
0xbe: {  	_ =	sfence.sel $0xFFFF  }
0xbf: {  	[dreg:$0x0] =	wrdreg $0xFFFFFFFF;
	(pc) =	sbr.abs _section_cstart, $3  }
0xc0: {  	[dreg:$0x1] =	wrdreg $0xFFFFFFFF  }
0xc1: {  	_ =	task.clear_ibuf [dreg:s6], $0x2FFFF;
	_ =	strace $0x9FFFFFFF  }
0xc2: {  	(tm) =	ssettm $0x7FFFFFFF  }
0xc3: {  	_ =	shalt  }
tec
execute0_lowered:
.L_overlay_start_1:
0x0: {  	(tag) =	ssettag $0x1  }
0x1: {  	s5 =	rddreg [dreg:$0x0]  }
0x2: {  	s2 =	rddreg [dreg:$0x1]  }
0x3: {  	s0 =	rddreg [dreg:$0x2]  }
0x4: {  	s3 =	simm.s32 $0x0;
	s1 =	stileid.u32;
	s4 =	srdreg.scid  }
0x5: {  	s16 =	simm.s32 $0x80;
	s17 =	simm.s32 $0x2800;
	s18 =	simm.s32 $0x6800  }
0x6: {  	s19 =	simm.s32 $0x1;
	s20 =	simm.s32 $0x2;
	s21 =	simm.s32 $0x2700  }
0x7: {  	s22 =	simm.s32 $0x2780;
	s23 =	simm.s32 $0x0;
	[smem:$0x7FF] =	sst s3  }
0x8: {  	s6 =	smul.u32 $0x13C00, s1;
	s7 =	sand.u32 $0x1, s4;
	s4 =	sadd.s32 $0x15C00, s5  }
0x9: {  	s9 =	sadd.s32 $0x1C00, s5;
	s10 =	sadd.s32 $0xBC00, s5;
	s14 =	smul.u32 $0x2800, s1  }
0xa: {  	s30 =	sshll.u32 s1, $0x6;
	_ =	strace $0x8000004A;
	s8 =	smul.u32 $0x13C000, s7  }
0xb: {  	s12 =	ssub.s32 $0x2, s7;
	s7 =	smul.u32 $0x28000, s7;
	s11 =	sshrl.u32 s6, $0x3  }
0xc: {  	s13 =	sshrl.u32 s12, $0x1;
	s29 =	sadd.s32 s6, s2;
	s8 =	sadd.s32 s6, s8  }
0xd: {  	s11 =	sadd.s32 s11, s5;
	s12 =	ssub.s32 s12, s13;
	s7 =	sadd.s32 s14, s7  }
0xe: {  	s6 =	sor.u32 $0x1C03, s30;
	s13 =	sshrl.u32 s29, $0x3;
	s14 =	simm.s32 $0x3  }
0xf: {  	s8 =	sshrl.u32 s8, $0x3;
	s31 =	sshrl.u32 s7, $0x3;
	s12 =	smax.u32 s12, $0x1  }
0x10: {  	s15 =	sadd.s32 s8, s5;
	s5 =	sadd.s32 $0x3D400, s11;
	s11 =	sadd.s32 $0x280, s31  }
0x11: {  	s7 =	sadd.s32 s9, s31;
	s8 =	sadd.s32 s10, s31;
	s9 =	sadd.s32 s9, s11  }
0x12: {  	s10 =	sadd.s32 s10, s11;
	s11 =	sadd.s32 $0x64C00, s15;
	s15 =	simm.s32 $0x1400  }
.LBB2_1:
0x13: {  	[spmem:s13], [sflag:s6] =	dma.local [hbm:s5], $0x2780  }
0x14: {  	_ =	swait.ge [sflag:s14], $0x2780  }
0x15: {  	[sflag:s14] =	ssyncset.done $0x0  }
0x16: {  	[sflag:s14] =	ssyncadd.s32 $0xFFFFD880  }
0x17: {  	[bflag:$0x0] =	sbarrier.arrive $0xFFFF  }
0x18: {  	[tilespmem:s3], [sflag:$0x3] =	stream.linear.gather [hbm4b:s7+s3], $0x1400, $0x38;
	[tilespmem:$0x1E400] =	vst v63  }
0x19: {  	_ =	swait.ge [sflag:s14], $0x1400  }
0x1a: {  	[sflag:s14] =	ssyncset.done $0x0  }
0x1b: {  	[sflag:s14] =	ssyncadd.s32 $0xFFFFEC00  }
0x1c: {  	[tilespmem:s15], [sflag:$0x3] =	stream.linear.gather [hbm4b:s8+s3], $0x1400, $0x38;
	[tilespmem:$0x1E400] =	vst v63  }
0x1d: {  	_ =	swait.ge [sflag:s14], $0x1400  }
0x1e: {  	[sflag:s14] =	ssyncset.done $0x0  }
0x1f: {  	[sflag:s14] =	ssyncadd.s32 $0xFFFFEC00  }
0x20: {  	[tilespmem:s17], [sflag:$0x1] =	stream.indirect.gather [hbm4b:s4+s16], $0x80, s3, s16, $0xb8;
	[tilespmem:$0x1E400] =	vst v63  }
0x21: {  	_ = 	snop  }
0x22: {  	[tilespmem:s18], [sflag:$0x2] =	stream.indirect.gather [hbm4b:s4+s16], $0x80, s16, s16, $0xb8;
	[tilespmem:$0x1E400] =	vst v63  }
0x23: {  	_ =	swait.ge [sflag:s19], $0x4000  }
0x24: {  	[sflag:s19] =	ssyncset.done $0x0  }
0x25: {  	s24 =	simm.s32 $0x1400;
	[sflag:s19] =	ssyncadd.s32 $0xFFFFC000  }
0x26: {  	[spmem:s2] =	stream.indirect.scatter.add.f32 [tilespmem:s17], [sflag:$0x3], $0x80, s24, s16, $0xb8;
	[tilespmem:$0x1E400] =	vst v63  }
0x27: {  	_ =	swait.ge [sflag:s14], $0x4000  }
0x28: {  	[sflag:s14] =	ssyncset.done $0x0  }
0x29: {  	s30 =	simm.s32 $0x100;
	[sflag:s14] =	ssyncadd.s32 $0xFFFFC000  }
0x2a: {  	[tilespmem:s17], [sflag:$0x1] =	stream.indirect.gather [hbm4b:s4+s16], $0x80, s30, s16, $0xb8;
	[tilespmem:$0x1E400] =	vst v63  }
0x2b: {  	_ =	swait.ge [sflag:s20], $0x4000  }
0x2c: {  	[sflag:s20] =	ssyncset.done $0x0  }
0x2d: {  	s31 =	simm.s32 $0x1480;
	[sflag:s20] =	ssyncadd.s32 $0xFFFFC000  }
0x2e: {  	[spmem:s2] =	stream.indirect.scatter.add.f32 [tilespmem:s18], [sflag:$0x3], $0x80, s31, s16, $0xb8;
	[tilespmem:$0x1E400] =	vst v63  }
0x2f: {  	_ =	swait.ge [sflag:s14], $0x4000  }
0x30: {  	[sflag:s14] =	ssyncset.done $0x0  }
0x31: {  	s25 =	simm.s32 $0x180;
	s24 =	simm.s32 $0x400;
	[sflag:s14] =	ssyncadd.s32 $0xFFFFC000  }
.LBB2_2:
0x32: {  	[tilespmem:s18], [sflag:$0x2] =	stream.indirect.gather [hbm4b:s4+s16], $0x80, s25, s16, $0xb8;
	[tilespmem:$0x1E400] =	vst v63  }
0x33: {  	s25 =	smov.u32 s24  }
0x34: {  	p0 =	sne.s32 s24, $0x4800;
	s24 =	sadd.s32 $0x400, s24;
	_ =	swait.ge [sflag:s19], $0x4000  }
0x35: {  	s25 =	sshra.s32 s25, $0x2;
	[sflag:s19] =	ssyncset.done $0x0  }
0x36: {  	s26 =	sadd.s32 $0x1400, s25;
	[sflag:s19] =	ssyncadd.s32 $0xFFFFC000  }
0x37: {  	[spmem:s2] =	stream.indirect.scatter.add.f32 [tilespmem:s17], [sflag:$0x3], $0x80, s26, s16, $0xb8;
	[tilespmem:$0x1E400] =	vst v63  }
0x38: {  	_ =	swait.ge [sflag:s14], $0x4000  }
0x39: {  	[sflag:s14] =	ssyncset.done $0x0  }
0x3a: {  	s26 =	sadd.s32 $0x100, s25;
	[sflag:s14] =	ssyncadd.s32 $0xFFFFC000  }
0x3b: {  	[tilespmem:s17], [sflag:$0x1] =	stream.indirect.gather [hbm4b:s4+s16], $0x80, s26, s16, $0xb8;
	[tilespmem:$0x1E400] =	vst v63  }
0x3c: {  	_ =	swait.ge [sflag:s20], $0x4000  }
0x3d: {  	[sflag:s20] =	ssyncset.done $0x0  }
.Ltmp0:
0x3e: {  	s26 =	sadd.s32 $0x1480, s25;
	[sflag:s20] =	ssyncadd.s32 $0xFFFFC000;
	(pc) =	sbr.rel @p0 .LBB2_2-.Ltmp0, $4  }
0x3f: {  	[spmem:s2] =	stream.indirect.scatter.add.f32 [tilespmem:s18], [sflag:$0x3], $0x80, s26, s16, $0xb8;
	[tilespmem:$0x1E400] =	vst v63  }
0x40: {  	_ =	swait.ge [sflag:s14], $0x4000  }
0x41: {  	[sflag:s14] =	ssyncset.done $0x0  }
0x42: {  	s25 =	sadd.s32 $0x180, s25;
	[sflag:s14] =	ssyncadd.s32 $0xFFFFC000  }
0x43: {  	[tilespmem:s18], [sflag:$0x2] =	stream.indirect.gather [hbm4b:s4+s16], $0x80, s25, s16, $0xb8;
	[tilespmem:$0x1E400] =	vst v63  }
0x44: {  	_ =	swait.ge [sflag:s19], $0x4000  }
0x45: {  	[sflag:s19] =	ssyncset.done $0x0  }
0x46: {  	[sflag:s19] =	ssyncadd.s32 $0xFFFFC000  }
0x47: {  	[spmem:s2] =	stream.indirect.scatter.add.f32 [tilespmem:s17], [sflag:$0x3], $0x80, s21, s16, $0xb8;
	[tilespmem:$0x1E400] =	vst v63  }
0x48: {  	_ =	swait.ge [sflag:s14], $0x4000  }
0x49: {  	[sflag:s14] =	ssyncset.done $0x0  }
0x4a: {  	[sflag:s14] =	ssyncadd.s32 $0xFFFFC000  }
0x4b: {  	_ =	swait.ge [sflag:s20], $0x4000  }
0x4c: {  	[sflag:s20] =	ssyncset.done $0x0  }
0x4d: {  	[sflag:s20] =	ssyncadd.s32 $0xFFFFC000  }
0x4e: {  	[spmem:s2] =	stream.indirect.scatter.add.f32 [tilespmem:s18], [sflag:$0x3], $0x80, s22, s16, $0xb8;
	[tilespmem:$0x1E400] =	vst v63  }
0x4f: {  	_ =	swait.ge [sflag:s14], $0x4000  }
0x50: {  	[sflag:s14] =	ssyncset.done $0x0  }
0x51: {  	s24 =	simm.s32 $0x0;
	[sflag:s14] =	ssyncadd.s32 $0xFFFFC000  }
0x52: {  	[tilespmem:s24], [sflag:$0x3] =	stream.linear.gather [hbm4b:s9+s24], $0x1400, $0x38;
	[tilespmem:$0x1E400] =	vst v63  }
0x53: {  	_ =	swait.ge [sflag:s14], $0x1400  }
0x54: {  	[sflag:s14] =	ssyncset.done $0x0  }
0x55: {  	[sflag:s14] =	ssyncadd.s32 $0xFFFFEC00  }
0x56: {  	[tilespmem:s15], [sflag:$0x3] =	stream.linear.gather [hbm4b:s10+s24], $0x1400, $0x38;
	[tilespmem:$0x1E400] =	vst v63  }
0x57: {  	_ =	swait.ge [sflag:s14], $0x1400  }
0x58: {  	[sflag:s14] =	ssyncset.done $0x0  }
0x59: {  	[sflag:s14] =	ssyncadd.s32 $0xFFFFEC00  }
0x5a: {  	[tilespmem:s17], [sflag:$0x1] =	stream.indirect.gather [hbm4b:s4+s16], $0x80, s24, s16, $0xb8;
	[tilespmem:$0x1E400] =	vst v63  }
0x5b: {  	_ = 	snop  }
0x5c: {  	[tilespmem:s18], [sflag:$0x2] =	stream.indirect.gather [hbm4b:s4+s16], $0x80, s16, s16, $0xb8;
	[tilespmem:$0x1E400] =	vst v63  }
0x5d: {  	_ =	swait.ge [sflag:s19], $0x4000  }
0x5e: {  	[sflag:s19] =	ssyncset.done $0x0  }
0x5f: {  	s29 =	simm.s32 $0x1400;
	[sflag:s19] =	ssyncadd.s32 $0xFFFFC000  }
0x60: {  	[spmem:s2] =	stream.indirect.scatter.add.f32 [tilespmem:s17], [sflag:$0x3], $0x80, s29, s16, $0xb8;
	[tilespmem:$0x1E400] =	vst v63  }
0x61: {  	_ =	swait.ge [sflag:s14], $0x4000  }
0x62: {  	[sflag:s14] =	ssyncset.done $0x0  }
0x63: {  	s30 =	simm.s32 $0x100;
	[sflag:s14] =	ssyncadd.s32 $0xFFFFC000  }
0x64: {  	[tilespmem:s17], [sflag:$0x1] =	stream.indirect.gather [hbm4b:s4+s16], $0x80, s30, s16, $0xb8;
	[tilespmem:$0x1E400] =	vst v63  }
0x65: {  	_ =	swait.ge [sflag:s20], $0x4000  }
0x66: {  	[sflag:s20] =	ssyncset.done $0x0  }
0x67: {  	s31 =	simm.s32 $0x1480;
	[sflag:s20] =	ssyncadd.s32 $0xFFFFC000  }
0x68: {  	[spmem:s2] =	stream.indirect.scatter.add.f32 [tilespmem:s18], [sflag:$0x3], $0x80, s31, s16, $0xb8;
	[tilespmem:$0x1E400] =	vst v63  }
0x69: {  	_ =	swait.ge [sflag:s14], $0x4000  }
0x6a: {  	[sflag:s14] =	ssyncset.done $0x0  }
0x6b: {  	s25 =	simm.s32 $0x180;
	s24 =	simm.s32 $0x400;
	[sflag:s14] =	ssyncadd.s32 $0xFFFFC000  }
.LBB2_4:
0x6c: {  	[tilespmem:s18], [sflag:$0x2] =	stream.indirect.gather [hbm4b:s4+s16], $0x80, s25, s16, $0xb8;
	[tilespmem:$0x1E400] =	vst v63  }
0x6d: {  	s25 =	smov.u32 s24  }
0x6e: {  	p0 =	sne.s32 s24, $0x4800;
	s24 =	sadd.s32 $0x400, s24;
	_ =	swait.ge [sflag:s19], $0x4000  }
0x6f: {  	s25 =	sshra.s32 s25, $0x2;
	[sflag:s19] =	ssyncset.done $0x0  }
0x70: {  	s26 =	sadd.s32 $0x1400, s25;
	[sflag:s19] =	ssyncadd.s32 $0xFFFFC000  }
0x71: {  	[spmem:s2] =	stream.indirect.scatter.add.f32 [tilespmem:s17], [sflag:$0x3], $0x80, s26, s16, $0xb8;
	[tilespmem:$0x1E400] =	vst v63  }
0x72: {  	_ =	swait.ge [sflag:s14], $0x4000  }
0x73: {  	[sflag:s14] =	ssyncset.done $0x0  }
0x74: {  	s26 =	sadd.s32 $0x100, s25;
	[sflag:s14] =	ssyncadd.s32 $0xFFFFC000  }
0x75: {  	[tilespmem:s17], [sflag:$0x1] =	stream.indirect.gather [hbm4b:s4+s16], $0x80, s26, s16, $0xb8;
	[tilespmem:$0x1E400] =	vst v63  }
0x76: {  	_ =	swait.ge [sflag:s20], $0x4000  }
0x77: {  	[sflag:s20] =	ssyncset.done $0x0  }
.Ltmp1:
0x78: {  	s26 =	sadd.s32 $0x1480, s25;
	[sflag:s20] =	ssyncadd.s32 $0xFFFFC000;
	(pc) =	sbr.rel @p0 .LBB2_4-.Ltmp1, $4  }
0x79: {  	[spmem:s2] =	stream.indirect.scatter.add.f32 [tilespmem:s18], [sflag:$0x3], $0x80, s26, s16, $0xb8;
	[tilespmem:$0x1E400] =	vst v63  }
0x7a: {  	_ =	swait.ge [sflag:s14], $0x4000  }
0x7b: {  	[sflag:s14] =	ssyncset.done $0x0  }
0x7c: {  	s25 =	sadd.s32 $0x180, s25;
	[sflag:s14] =	ssyncadd.s32 $0xFFFFC000  }
0x7d: {  	[tilespmem:s18], [sflag:$0x2] =	stream.indirect.gather [hbm4b:s4+s16], $0x80, s25, s16, $0xb8;
	[tilespmem:$0x1E400] =	vst v63  }
0x7e: {  	_ =	swait.ge [sflag:s19], $0x4000  }
0x7f: {  	[sflag:s19] =	ssyncset.done $0x0  }
0x80: {  	[sflag:s19] =	ssyncadd.s32 $0xFFFFC000  }
0x81: {  	[spmem:s2] =	stream.indirect.scatter.add.f32 [tilespmem:s17], [sflag:$0x3], $0x80, s21, s16, $0xb8;
	[tilespmem:$0x1E400] =	vst v63  }
0x82: {  	_ =	swait.ge [sflag:s14], $0x4000  }
0x83: {  	[sflag:s14] =	ssyncset.done $0x0  }
0x84: {  	[sflag:s14] =	ssyncadd.s32 $0xFFFFC000  }
0x85: {  	_ =	swait.ge [sflag:s20], $0x4000  }
0x86: {  	[sflag:s20] =	ssyncset.done $0x0  }
0x87: {  	[sflag:s20] =	ssyncadd.s32 $0xFFFFC000  }
0x88: {  	[spmem:s2] =	stream.indirect.scatter.add.f32 [tilespmem:s18], [sflag:$0x3], $0x80, s22, s16, $0xb8;
	[tilespmem:$0x1E400] =	vst v63  }
0x89: {  	_ =	swait.ge [sflag:s14], $0x4000  }
0x8a: {  	s23 =	sadd.s32 $0x1, s23;
	[sflag:s14] =	ssyncset.done $0x0  }
0x8b: {  	p0 =	sne.s32 s23, s12;
	[sflag:s14] =	ssyncadd.s32 $0xFFFFC000  }
.Ltmp2:
0x8c: {  	[bflag:$0x0] =	sbarrier.arrive $0xFFFF;
	(pc) =	sbr.rel @p0 .LBB2_1-.Ltmp2, $4  }
0x8d: {  	[hbm:s11], [sflag:s6] =	dma.local [spmem:s13], $0x2780  }
0x8e: {  	_ =	swait.ge [sflag:s14], $0x2780  }
0x8f: {  	[sflag:s14] =	ssyncset.done $0x0  }
0x90: {  	[sflag:s14] =	ssyncadd.s32 $0xFFFFD880  }
0x91: {  	_ =	sfence.sel $0x180000  }
0x92: {  	[bflag:$0x0] =	sbarrier.arrive $0xFFFF  }
0x93: {  	p0 =	sne.s32 s1, $0x0;
	_ =	strace $0x9000004A  }
0x94: {  	s0 =	sadd.s32 @!p0 $0x100000, s0;
	[bflag:$0x2] =	sbarrier.arrive $0xFFFF  }
0x95: {  	[sflag:s0] =	ssyncadd.tile.s32 @!p0 $0x1;
	_ =	shalt  }
.Lfunc_end2:
_tile_overlayer_lowered:
.L_overlay_start_2:
0x96: {  	(tag) =	ssettag $0x2  }
0x97: {  	s0 =	rddreg [dreg:$0x0];
	s2 =	stileid.u32  }
0x98: {  	s1 =	rddreg [dreg:$0x1];
	p0 =	sne.s32 s2, $0x0  }
0x99: {  	s3 =	rddreg [dreg:$0x2];
	[bflag:$0x3] =	sbarrier.arrive $0xFFFF;
	s2 =	simm.s32 @!p0 $0x1C03  }
0x9a: {  	[timem:s3], [sflag:s2] =	dma.local @!p0 [hbm:s0], s1  }
0x9b: {  	s0 =	simm.s32 @!p0 $0x3  }
0x9c: {  	_ =	swait.ge @!p0 [sflag:s0], s1  }
0x9d: {  	s1 =	ssub.s32 @!p0 $0x0, s1;
	[sflag:s0] =	ssyncset.done @!p0 $0x0  }
0x9e: {  	[sflag:s0] =	ssyncadd.s32 @!p0 s1  }
0x9f: {  	[bflag:$0x3] =	sbarrier.arrive $0xFFFF  }
0xa0: {  	_ =	shalt  }

// kernel: kernel.14.cloned.1.call-start
scs
__scs_entry_jumppad:
0x0: {  	(pc) =	sbr.rel $0x88, $3  }
0x1: {  	(tag) =	ssettag $0x0;
	lr =	simm.s32 $0x1  }
0x2: {  	[smem:$0x3F99] =	sst lr;
	_ =	strace $0xD0000000  }
0x3: {  	_ = 	snop  }
0x4: {  	_ = 	snop  }
0x5: {  	_ = 	snop  }
0x6: {  	_ = 	snop  }
0x7: {  	_ = 	snop  }
__scs_overlays_trampoline_lowered:
0x8: {  	[smem:$0x3FA8] =	sst s0  }
0x9: {  	[smem:$0x3FA9] =	sst s1  }
0xa: {  	[smem:$0x3FAA] =	sst s2  }
0xb: {  	[smem:$0x3FAB] =	sst s3  }
0xc: {  	[smem:$0x3FAC] =	sst s4  }
0xd: {  	[smem:$0x3FAD] =	sst s5  }
0xe: {  	[smem:$0x3FAE] =	sst s6  }
0xf: {  	[smem:$0x3FAF] =	sst s7  }
0x10: {  	[smem:$0x3FB0] =	sst s8  }
0x11: {  	[smem:$0x3FB1] =	sst s9;
	s0 =	simm.s32 @!p0 $0x0  }
0x12: {  	s1 =	sld [smem:$0x3F97];
	s0 =	simm.s32 @p0 $0x1  }
0x13: {  	[smem:$0x3FB2] =	sst s0;
	s0 =	simm.s32 @!p1 $0x0  }
0x14: {  	s2 =	sld [smem:$0x3F96];
	s0 =	simm.s32 @p1 $0x1  }
0x15: {  	[smem:$0x3FB3] =	sst s0;
	s0 =	simm.s32 @!p2 $0x0  }
0x16: {  	s3 =	sld [smem:$0x3FDB];
	s0 =	simm.s32 @p2 $0x1  }
0x17: {  	s4 =	simm.s32 $0x1BF5;
	[smem:$0x3FB5] =	sst s0  }
0x18: {  	s0 =	sld [smem:$0x3F98];
	_ =	swait.ge [sflag:s4], $0x0  }
0x19: {  	s7 =	sld [smem:$0x3F99]  }
0x1a: {  	s8 =	sadd.s32 $0xFFFFE003, lr  }
0x1b: {  	s9 =	sadd.s32 $0xFFFFFEF7, lr;
	s5 =	simm.s32 $0xFFFFFFFF;
	p2 =	slt.u32 s8, $0xFFFFF086  }
0x1c: {  	p1 =	slt.u32 s9, $0xF7A;
	s5 =	simm.s32 @!p2 $0x0  }
0x1d: {  	s5 =	simm.s32 @p1 $0x1;
	p0 =	seq.s32 s7, s2  }
0x1e: {  	s7 =	smul.u32 @!p0 $0xF7A, s2;
	p2 =	seq.s32 @!p0 s5, $0x0  }
0x1f: {  	s9 =	smul.u32 $0xF7A, s1;
	s8 =	simm.s32 @!p0 $0x1BF5;
	p2 =	por !p2, p0  }
0x20: {  	[sflag:s8] =	ssyncset.s32 @!p0 $0xFFFFF086;
	s6 =	sadd.s32 @!p0 s3, s7;
	s7 =	simm.s32 @!p0 $0x108  }
0x21: {  	s3 =	sadd.s32 s3, s9;
	s6 =	sadd.s32 @!p0 $0x88, s6;
	s7 =	simm.s32 @p2 $0x1082  }
0x22: {  	[simem:s7], [sflag:s8] =	dma.local @!p0 [hbm:s6], $0xF7A  }
0x23: {  	s9 =	sor.u32 $0xD0000000, s2;
	s6 =	simm.s32 $0x108;
	_ =	swait.ge @!p0 [sflag:s8], $0x0  }
0x24: {  	s3 =	sadd.s32 $0x88, s3;
	s6 =	simm.s32 @!p1 $0x1082;
	[sflag:s4] =	ssyncset.s32 $0xFFFFF086  }
0x25: {  	[simem:s6], [sflag:s4] =	dma.local [hbm:s3], $0xF7A  }
0x26: {  	[smem:$0x3F99] =	sst s1;
	(tag) =	ssettag s2;
	_ =	strace s9  }
0x27: {  	s1 =	sld [smem:$0x3FA9]  }
0x28: {  	s2 =	sld [smem:$0x3FAA]  }
0x29: {  	s4 =	sld [smem:$0x3FAC]  }
0x2a: {  	p0 =	seq.s32 s5, $0x0;
	s5 =	sld [smem:$0x3FAD]  }
0x2b: {  	s6 =	sld [smem:$0x3FAE]  }
0x2c: {  	s7 =	sld [smem:$0x3FAF]  }
0x2d: {  	s3 =	simm.s32 $0x108;
	s8 =	sld [smem:$0x3FB0]  }
0x2e: {  	s3 =	simm.s32 @!p0 $0x1082;
	s9 =	sld [smem:$0x3FB1]  }
0x2f: {  	lr =	sadd.s32 s0, s3;
	s0 =	sld [smem:$0x3FA8]  }
0x30: {  	s3 =	sld [smem:$0x3FAB]  }
0x31: {  	[smem:$0x3FB4] =	sst s10  }
0x32: {  	s10 =	sld [smem:$0x3FB2];
	_ =	sdelay $0x3  }
0x33: {  	p0 =	seq.s32 s10, $0x1;
	s10 =	sld [smem:$0x3FB4];
	_ =	sdelay $0x3  }
0x34: {  	[smem:$0x3FB4] =	sst s10  }
0x35: {  	s10 =	sld [smem:$0x3FB3];
	_ =	sdelay $0x3  }
0x36: {  	p1 =	seq.s32 s10, $0x1;
	s10 =	sld [smem:$0x3FB4];
	_ =	sdelay $0x3  }
0x37: {  	[smem:$0x3FB4] =	sst s10  }
0x38: {  	s10 =	sld [smem:$0x3FB5]  }
0x39: {  	_ = 	snop;
	(pc) =	sbr.ind lr, $3  }
0x3a: {  	_ = 	snop  }
0x3b: {  	_ = 	snop  }
0x3c: {  	p2 =	seq.s32 s10, $0x1;
	s10 =	sld [smem:$0x3FB4]  }
0x3d: {  	_ =	shalt  }
0x3e: {  	_ =	shalt  }
0x3f: {  	_ =	shalt  }
0x40: {  	_ =	shalt  }
0x41: {  	_ =	shalt  }
0x42: {  	_ =	shalt  }
0x43: {  	_ =	shalt  }
0x44: {  	_ =	shalt  }
0x45: {  	_ =	shalt  }
0x46: {  	_ =	shalt  }
0x47: {  	_ =	shalt  }
0x48: {  	_ =	shalt  }
0x49: {  	_ =	shalt  }
0x4a: {  	_ =	shalt  }
0x4b: {  	_ =	shalt  }
0x4c: {  	_ =	shalt  }
0x4d: {  	_ =	shalt  }
0x4e: {  	_ =	shalt  }
0x4f: {  	_ =	shalt  }
0x50: {  	_ =	shalt  }
0x51: {  	_ =	shalt  }
0x52: {  	_ =	shalt  }
0x53: {  	_ =	shalt  }
0x54: {  	_ =	shalt  }
0x55: {  	_ =	shalt  }
0x56: {  	_ =	shalt  }
0x57: {  	_ =	shalt  }
0x58: {  	_ =	shalt  }
0x59: {  	_ =	shalt  }
0x5a: {  	_ =	shalt  }
0x5b: {  	_ =	shalt  }
0x5c: {  	_ =	shalt  }
0x5d: {  	_ =	shalt  }
0x5e: {  	_ =	shalt  }
0x5f: {  	_ =	shalt  }
0x60: {  	_ =	shalt  }
0x61: {  	_ =	shalt  }
0x62: {  	_ =	shalt  }
0x63: {  	_ =	shalt  }
0x64: {  	_ =	shalt  }
0x65: {  	_ =	shalt  }
0x66: {  	_ =	shalt  }
0x67: {  	_ =	shalt  }
0x68: {  	_ =	shalt  }
0x69: {  	_ =	shalt  }
0x6a: {  	_ =	shalt  }
0x6b: {  	_ =	shalt  }
0x6c: {  	_ =	shalt  }
0x6d: {  	_ =	shalt  }
0x6e: {  	_ =	shalt  }
0x6f: {  	_ =	shalt  }
0x70: {  	_ =	shalt  }
0x71: {  	_ =	shalt  }
0x72: {  	_ =	shalt  }
0x73: {  	_ =	shalt  }
0x74: {  	_ =	shalt  }
0x75: {  	_ =	shalt  }
0x76: {  	_ =	shalt  }
0x77: {  	_ =	shalt  }
0x78: {  	_ =	shalt  }
0x79: {  	_ =	shalt  }
0x7a: {  	_ =	shalt  }
0x7b: {  	_ =	shalt  }
0x7c: {  	_ =	shalt  }
0x7d: {  	_ =	shalt  }
0x7e: {  	_ =	shalt  }
0x7f: {  	_ =	shalt  }
0x80: {  	_ =	shalt  }
0x81: {  	_ =	shalt  }
0x82: {  	_ =	shalt  }
0x83: {  	_ =	shalt  }
0x84: {  	_ =	shalt  }
0x85: {  	_ =	shalt  }
0x86: {  	_ =	shalt  }
0x87: {  	_ =	shalt  }
.Lfunc_end0:
.L_simem_size_0:
called_computation.2_lowered:
.L_overlay_start_0:
0x88: {  	s2 =	sld [smem:$0x3FD9]  }
0x89: {  	s3 =	sld [smem:$0x3FFE];
	_ =	sdelay $0x1  }
0x8a: {  	s1 =	srdreg.scid  }
0x8b: {  	s0 =	sand.u32 $0x1, s1  }
0x8c: {  	s16 =	sshll.u32 s0, $0xA;
	s2 =	sadd.s32 s3, s2  }
0x8d: {  	s2 =	sadd.s32 s2, s16  }
0x8e: {  	[smem:$0x3FC0] =	sst s2  }
0x8f: {  	_ = 	snop  }
0x90: {  	(tm) =	ssettm $0x1  }
0x91: {  	s17 =	sld [smem:$0x3FFB];
	_ =	sdelay $0x3  }
0x92: {  	_ =	strace s17  }
0x93: {  	s2 =	sld [smem:$0x3FFC];
	_ =	sdelay $0x3  }
0x94: {  	_ =	strace s2  }
0x95: {  	s2 =	sld [smem:$0x3FFD];
	_ =	sdelay $0x3  }
0x96: {  	_ =	strace s2  }
0x97: {  	_ =	strace $0x8FFFFFFF  }
0x98: {  	s18 =	sld [smem:$0x3FDB];
	_ =	sdelay $0x1  }
0x99: {  	s19 =	simm.s32 $_scs_section_size  }
0x9a: {  	s4 =	simm.s32 $_size__tile_overlayer_lowered;
	s5 =	simm.s32 $_tile_overlayer_lowered  }
0x9b: {  	s22 =	simm.s32 $0x1BFF;
	s21 =	sshll.u32 s5, $0x1;
	s2 =	sadd.s32 s19, s18  }
0x9c: {  	s6 =	simm.s32 $0x0;
	s20 =	sshll.u32 s4, $0x1;
	s4 =	sadd.s32 s21, s2  }
0x9d: {  	[timem:s6], [sflag:s22] =	dma.local [hbm:s4], s20  }
0x9e: {  	_ =	swait.ge [sflag:s22], s20  }
0x9f: {  	s3 =	ssub.s32 $0x0, s20;
	[sflag:s22] =	ssyncset.done $0x0  }
0xa0: {  	[sflag:s22] =	ssyncadd.s32 s3;
	_ =	sdelay $0x1  }
0xa1: {  	s23 =	simm.s32 $0x1B8B  }
0xa2: {  	_ =	swait.ge [sflag:s23], $0x1  }
0xa3: {  	[sflag:s23] =	ssyncset.done $0x0  }
0xa4: {  	s25 =	simm.s32 $0x1B8E;
	s24 =	sld [smem:$0x3FFE];
	[sflag:s23] =	ssyncadd.s32 $0xFFFFFFFF  }
0xa5: {  	s26 =	simm.s32 $execute0_lowered;
	[smem:$0x3FD2] =	sst s25  }
0xa6: {  	s4 =	sshll.u32 s26, $0x1;
	_ =	strace $0x8000004C;
	[dreg:$0x1] =	wrdreg $0xFFFFFFFF  }
0xa7: {  	s28 =	simm.s32 $_size_execute0_lowered;
	s2 =	sadd.s32 s2, s4;
	[dreg:$0x0] =	wrdreg $0x0  }
0xa8: {  	s4 =	sshll.u32 s28, $0x1;
	[dreg:$0x2] =	wrdreg s2  }
0xa9: {  	[dreg:$0x3] =	wrdreg s4  }
0xaa: {  	[dreg:$0x4] =	wrdreg $0xC0  }
0xab: {  	_ =	task [dreg:s6], $0x5FFFF  }
0xac: {  	[dreg:$0x1] =	wrdreg $0xFFFFFFFF  }
0xad: {  	[dreg:$0x0] =	wrdreg $0x60  }
0xae: {  	[dreg:$0x2] =	wrdreg s24  }
0xaf: {  	[dreg:$0x3] =	wrdreg $0x68000  }
0xb0: {  	[dreg:$0x4] =	wrdreg $0x9  }
0xb1: {  	_ =	task.clear_ibuf [dreg:s6], $0x5FFFF;
	_ =	strace $0x9000004C  }
0xb2: {  	s29 =	simm.s32 $0x9;
	_ =	strace $0x8000004E  }
0xb3: {  	_ =	swait.ge [sflag:s29], $0x1  }
0xb4: {  	[sflag:s29] =	ssyncadd.s32 $0xFFFFFFFF  }
0xb5: {  	_ =	strace $0x9000004E  }
0xb6: {  	_ =	sfence  }
0xb7: {  	s30 =	sld [smem:$0x0];
	_ =	sdelay $0x2  }
0xb8: {  	s31 =	sshll.u32 s1, $0xD;
	s1 =	sshrl.u32 s1, $0x2  }
0xb9: {  	s3 =	sand.u32 $0x4000, s31;
	s1 =	sadd.s32 s1, s30  }
0xba: {  	s0 =	sor.u32 s3, s0;
	s1 =	sshll.u32 s1, $0x11  }
0xbb: {  	s0 =	sor.u32 s1, s0  }
0xbc: {  	s0 =	sadd.s32 $0x8F2B, s0  }
0xbd: {  	[sflag:s0] =	ssyncadd.remote.s32 $0x1  }
0xbe: {  	_ =	sfence.sel $0xFFFF  }
0xbf: {  	[dreg:$0x0] =	wrdreg $0xFFFFFFFF;
	(pc) =	sbr.abs _section_cstart, $3  }
0xc0: {  	[dreg:$0x1] =	wrdreg $0xFFFFFFFF  }
0xc1: {  	_ =	task.clear_ibuf [dreg:s6], $0x2FFFF;
	_ =	strace $0x9FFFFFFF  }
0xc2: {  	(tm) =	ssettm $0x7FFFFFFF  }
0xc3: {  	_ =	shalt  }
tec
execute0_lowered:
.L_overlay_start_1:
0x0: {  	(tag) =	ssettag $0x1  }
0x1: {  	s5 =	rddreg [dreg:$0x0]  }
0x2: {  	s2 =	rddreg [dreg:$0x1]  }
0x3: {  	s0 =	rddreg [dreg:$0x2]  }
0x4: {  	s3 =	simm.s32 $0x0;
	s1 =	stileid.u32;
	s4 =	srdreg.scid  }
0x5: {  	s16 =	simm.s32 $0x80;
	s17 =	simm.s32 $0x2800;
	s18 =	simm.s32 $0x4800  }
0x6: {  	s19 =	simm.s32 $0x1;
	s20 =	simm.s32 $0x2;
	s21 =	simm.s32 $0x2700  }
0x7: {  	s22 =	simm.s32 $0x2780;
	s23 =	simm.s32 $0x0;
	[smem:$0x7FF] =	sst s3  }
0x8: {  	s6 =	smul.u32 $0x9E00, s1;
	s7 =	sand.u32 $0x1, s4;
	s4 =	sadd.s32 $0x15C00, s5  }
0x9: {  	s9 =	sadd.s32 $0x1C00, s5;
	s10 =	sadd.s32 $0xBC00, s5;
	s14 =	smul.u32 $0x2800, s1  }
0xa: {  	s30 =	sshll.u32 s1, $0x6;
	_ =	strace $0x8000004D;
	s8 =	smul.u32 $0x9E000, s7  }
0xb: {  	s12 =	ssub.s32 $0x2, s7;
	s7 =	smul.u32 $0x28000, s7;
	s11 =	sshrl.u32 s6, $0x3  }
0xc: {  	s13 =	sshrl.u32 s12, $0x1;
	s29 =	sadd.s32 s6, s2;
	s8 =	sadd.s32 s6, s8  }
0xd: {  	s11 =	sadd.s32 s11, s5;
	s12 =	ssub.s32 s12, s13;
	s7 =	sadd.s32 s14, s7  }
0xe: {  	s6 =	sor.u32 $0x1C03, s30;
	s13 =	sshrl.u32 s29, $0x3;
	s14 =	simm.s32 $0x3  }
0xf: {  	s8 =	sshrl.u32 s8, $0x3;
	s31 =	sshrl.u32 s7, $0x3;
	s12 =	smax.u32 s12, $0x1  }
0x10: {  	s15 =	sadd.s32 s8, s5;
	s5 =	sadd.s32 $0x29800, s11;
	s11 =	sadd.s32 $0x280, s31  }
0x11: {  	s7 =	sadd.s32 s9, s31;
	s8 =	sadd.s32 s10, s31;
	s9 =	sadd.s32 s9, s11  }
0x12: {  	s10 =	sadd.s32 s10, s11;
	s11 =	sadd.s32 $0x3D400, s15;
	s15 =	simm.s32 $0x1400  }
.LBB2_1:
0x13: {  	[spmem:s13], [sflag:s6] =	dma.local [hbm:s5], $0x13C0  }
0x14: {  	_ =	swait.ge [sflag:s14], $0x13C0  }
0x15: {  	[sflag:s14] =	ssyncset.done $0x0  }
0x16: {  	[sflag:s14] =	ssyncadd.s32 $0xFFFFEC40  }
0x17: {  	[bflag:$0x0] =	sbarrier.arrive $0xFFFF  }
0x18: {  	[tilespmem:s3], [sflag:$0x3] =	stream.linear.gather [hbm4b:s7+s3], $0x1400, $0x38;
	[tilespmem:$0x10600] =	vst v63  }
0x19: {  	_ =	swait.ge [sflag:s14], $0x1400  }
0x1a: {  	[sflag:s14] =	ssyncset.done $0x0  }
0x1b: {  	[sflag:s14] =	ssyncadd.s32 $0xFFFFEC00  }
0x1c: {  	[tilespmem:s15], [sflag:$0x3] =	stream.linear.gather [hbm4b:s8+s3], $0x1400, $0x38;
	[tilespmem:$0x10600] =	vst v63  }
0x1d: {  	_ =	swait.ge [sflag:s14], $0x1400  }
0x1e: {  	[sflag:s14] =	ssyncset.done $0x0  }
0x1f: {  	[sflag:s14] =	ssyncadd.s32 $0xFFFFEC00  }
0x20: {  	[tilespmem:s17], [sflag:$0x1] =	stream.indirect.gather [hbm4b:s4+s16], $0x40, s3, s16, $0xb8;
	[tilespmem:$0x10600] =	vst v63  }
0x21: {  	_ = 	snop  }
0x22: {  	[tilespmem:s18], [sflag:$0x2] =	stream.indirect.gather [hbm4b:s4+s16], $0x40, s16, s16, $0xb8;
	[tilespmem:$0x10600] =	vst v63  }
0x23: {  	_ =	swait.ge [sflag:s19], $0x2000  }
0x24: {  	[sflag:s19] =	ssyncset.done $0x0  }
0x25: {  	s24 =	simm.s32 $0x1400;
	[sflag:s19] =	ssyncadd.s32 $0xFFFFE000  }
0x26: {  	[spmem:s2] =	stream.indirect.scatter.add.f32 [tilespmem:s17], [sflag:$0x3], $0x40, s24, s16, $0xb8;
	[tilespmem:$0x10600] =	vst v63  }
0x27: {  	_ =	swait.ge [sflag:s14], $0x2000  }
0x28: {  	[sflag:s14] =	ssyncset.done $0x0  }
0x29: {  	s30 =	simm.s32 $0x100;
	[sflag:s14] =	ssyncadd.s32 $0xFFFFE000  }
0x2a: {  	[tilespmem:s17], [sflag:$0x1] =	stream.indirect.gather [hbm4b:s4+s16], $0x40, s30, s16, $0xb8;
	[tilespmem:$0x10600] =	vst v63  }
0x2b: {  	_ =	swait.ge [sflag:s20], $0x2000  }
0x2c: {  	[sflag:s20] =	ssyncset.done $0x0  }
0x2d: {  	s31 =	simm.s32 $0x1480;
	[sflag:s20] =	ssyncadd.s32 $0xFFFFE000  }
0x2e: {  	[spmem:s2] =	stream.indirect.scatter.add.f32 [tilespmem:s18], [sflag:$0x3], $0x40, s31, s16, $0xb8;
	[tilespmem:$0x10600] =	vst v63  }
0x2f: {  	_ =	swait.ge [sflag:s14], $0x2000  }
0x30: {  	[sflag:s14] =	ssyncset.done $0x0  }
0x31: {  	s25 =	simm.s32 $0x180;
	s24 =	simm.s32 $0x400;
	[sflag:s14] =	ssyncadd.s32 $0xFFFFE000  }
.LBB2_2:
0x32: {  	[tilespmem:s18], [sflag:$0x2] =	stream.indirect.gather [hbm4b:s4+s16], $0x40, s25, s16, $0xb8;
	[tilespmem:$0x10600] =	vst v63  }
0x33: {  	s25 =	smov.u32 s24  }
0x34: {  	p0 =	sne.s32 s24, $0x4800;
	s24 =	sadd.s32 $0x400, s24;
	_ =	swait.ge [sflag:s19], $0x2000  }
0x35: {  	s25 =	sshra.s32 s25, $0x2;
	[sflag:s19] =	ssyncset.done $0x0  }
0x36: {  	s26 =	sadd.s32 $0x1400, s25;
	[sflag:s19] =	ssyncadd.s32 $0xFFFFE000  }
0x37: {  	[spmem:s2] =	stream.indirect.scatter.add.f32 [tilespmem:s17], [sflag:$0x3], $0x40, s26, s16, $0xb8;
	[tilespmem:$0x10600] =	vst v63  }
0x38: {  	_ =	swait.ge [sflag:s14], $0x2000  }
0x39: {  	[sflag:s14] =	ssyncset.done $0x0  }
0x3a: {  	s26 =	sadd.s32 $0x100, s25;
	[sflag:s14] =	ssyncadd.s32 $0xFFFFE000  }
0x3b: {  	[tilespmem:s17], [sflag:$0x1] =	stream.indirect.gather [hbm4b:s4+s16], $0x40, s26, s16, $0xb8;
	[tilespmem:$0x10600] =	vst v63  }
0x3c: {  	_ =	swait.ge [sflag:s20], $0x2000  }
0x3d: {  	[sflag:s20] =	ssyncset.done $0x0  }
.Ltmp0:
0x3e: {  	s26 =	sadd.s32 $0x1480, s25;
	[sflag:s20] =	ssyncadd.s32 $0xFFFFE000;
	(pc) =	sbr.rel @p0 .LBB2_2-.Ltmp0, $4  }
0x3f: {  	[spmem:s2] =	stream.indirect.scatter.add.f32 [tilespmem:s18], [sflag:$0x3], $0x40, s26, s16, $0xb8;
	[tilespmem:$0x10600] =	vst v63  }
0x40: {  	_ =	swait.ge [sflag:s14], $0x2000  }
0x41: {  	[sflag:s14] =	ssyncset.done $0x0  }
0x42: {  	s25 =	sadd.s32 $0x180, s25;
	[sflag:s14] =	ssyncadd.s32 $0xFFFFE000  }
0x43: {  	[tilespmem:s18], [sflag:$0x2] =	stream.indirect.gather [hbm4b:s4+s16], $0x40, s25, s16, $0xb8;
	[tilespmem:$0x10600] =	vst v63  }
0x44: {  	_ =	swait.ge [sflag:s19], $0x2000  }
0x45: {  	[sflag:s19] =	ssyncset.done $0x0  }
0x46: {  	[sflag:s19] =	ssyncadd.s32 $0xFFFFE000  }
0x47: {  	[spmem:s2] =	stream.indirect.scatter.add.f32 [tilespmem:s17], [sflag:$0x3], $0x40, s21, s16, $0xb8;
	[tilespmem:$0x10600] =	vst v63  }
0x48: {  	_ =	swait.ge [sflag:s14], $0x2000  }
0x49: {  	[sflag:s14] =	ssyncset.done $0x0  }
0x4a: {  	[sflag:s14] =	ssyncadd.s32 $0xFFFFE000  }
0x4b: {  	_ =	swait.ge [sflag:s20], $0x2000  }
0x4c: {  	[sflag:s20] =	ssyncset.done $0x0  }
0x4d: {  	[sflag:s20] =	ssyncadd.s32 $0xFFFFE000  }
0x4e: {  	[spmem:s2] =	stream.indirect.scatter.add.f32 [tilespmem:s18], [sflag:$0x3], $0x40, s22, s16, $0xb8;
	[tilespmem:$0x10600] =	vst v63  }
0x4f: {  	_ =	swait.ge [sflag:s14], $0x2000  }
0x50: {  	[sflag:s14] =	ssyncset.done $0x0  }
0x51: {  	s24 =	simm.s32 $0x0;
	[sflag:s14] =	ssyncadd.s32 $0xFFFFE000  }
0x52: {  	[tilespmem:s24], [sflag:$0x3] =	stream.linear.gather [hbm4b:s9+s24], $0x1400, $0x38;
	[tilespmem:$0x10600] =	vst v63  }
0x53: {  	_ =	swait.ge [sflag:s14], $0x1400  }
0x54: {  	[sflag:s14] =	ssyncset.done $0x0  }
0x55: {  	[sflag:s14] =	ssyncadd.s32 $0xFFFFEC00  }
0x56: {  	[tilespmem:s15], [sflag:$0x3] =	stream.linear.gather [hbm4b:s10+s24], $0x1400, $0x38;
	[tilespmem:$0x10600] =	vst v63  }
0x57: {  	_ =	swait.ge [sflag:s14], $0x1400  }
0x58: {  	[sflag:s14] =	ssyncset.done $0x0  }
0x59: {  	[sflag:s14] =	ssyncadd.s32 $0xFFFFEC00  }
0x5a: {  	[tilespmem:s17], [sflag:$0x1] =	stream.indirect.gather [hbm4b:s4+s16], $0x40, s24, s16, $0xb8;
	[tilespmem:$0x10600] =	vst v63  }
0x5b: {  	_ = 	snop  }
0x5c: {  	[tilespmem:s18], [sflag:$0x2] =	stream.indirect.gather [hbm4b:s4+s16], $0x40, s16, s16, $0xb8;
	[tilespmem:$0x10600] =	vst v63  }
0x5d: {  	_ =	swait.ge [sflag:s19], $0x2000  }
0x5e: {  	[sflag:s19] =	ssyncset.done $0x0  }
0x5f: {  	s29 =	simm.s32 $0x1400;
	[sflag:s19] =	ssyncadd.s32 $0xFFFFE000  }
0x60: {  	[spmem:s2] =	stream.indirect.scatter.add.f32 [tilespmem:s17], [sflag:$0x3], $0x40, s29, s16, $0xb8;
	[tilespmem:$0x10600] =	vst v63  }
0x61: {  	_ =	swait.ge [sflag:s14], $0x2000  }
0x62: {  	[sflag:s14] =	ssyncset.done $0x0  }
0x63: {  	s30 =	simm.s32 $0x100;
	[sflag:s14] =	ssyncadd.s32 $0xFFFFE000  }
0x64: {  	[tilespmem:s17], [sflag:$0x1] =	stream.indirect.gather [hbm4b:s4+s16], $0x40, s30, s16, $0xb8;
	[tilespmem:$0x10600] =	vst v63  }
0x65: {  	_ =	swait.ge [sflag:s20], $0x2000  }
0x66: {  	[sflag:s20] =	ssyncset.done $0x0  }
0x67: {  	s31 =	simm.s32 $0x1480;
	[sflag:s20] =	ssyncadd.s32 $0xFFFFE000  }
0x68: {  	[spmem:s2] =	stream.indirect.scatter.add.f32 [tilespmem:s18], [sflag:$0x3], $0x40, s31, s16, $0xb8;
	[tilespmem:$0x10600] =	vst v63  }
0x69: {  	_ =	swait.ge [sflag:s14], $0x2000  }
0x6a: {  	[sflag:s14] =	ssyncset.done $0x0  }
0x6b: {  	s25 =	simm.s32 $0x180;
	s24 =	simm.s32 $0x400;
	[sflag:s14] =	ssyncadd.s32 $0xFFFFE000  }
.LBB2_4:
0x6c: {  	[tilespmem:s18], [sflag:$0x2] =	stream.indirect.gather [hbm4b:s4+s16], $0x40, s25, s16, $0xb8;
	[tilespmem:$0x10600] =	vst v63  }
0x6d: {  	s25 =	smov.u32 s24  }
0x6e: {  	p0 =	sne.s32 s24, $0x4800;
	s24 =	sadd.s32 $0x400, s24;
	_ =	swait.ge [sflag:s19], $0x2000  }
0x6f: {  	s25 =	sshra.s32 s25, $0x2;
	[sflag:s19] =	ssyncset.done $0x0  }
0x70: {  	s26 =	sadd.s32 $0x1400, s25;
	[sflag:s19] =	ssyncadd.s32 $0xFFFFE000  }
0x71: {  	[spmem:s2] =	stream.indirect.scatter.add.f32 [tilespmem:s17], [sflag:$0x3], $0x40, s26, s16, $0xb8;
	[tilespmem:$0x10600] =	vst v63  }
0x72: {  	_ =	swait.ge [sflag:s14], $0x2000  }
0x73: {  	[sflag:s14] =	ssyncset.done $0x0  }
0x74: {  	s26 =	sadd.s32 $0x100, s25;
	[sflag:s14] =	ssyncadd.s32 $0xFFFFE000  }
0x75: {  	[tilespmem:s17], [sflag:$0x1] =	stream.indirect.gather [hbm4b:s4+s16], $0x40, s26, s16, $0xb8;
	[tilespmem:$0x10600] =	vst v63  }
0x76: {  	_ =	swait.ge [sflag:s20], $0x2000  }
0x77: {  	[sflag:s20] =	ssyncset.done $0x0  }
.Ltmp1:
0x78: {  	s26 =	sadd.s32 $0x1480, s25;
	[sflag:s20] =	ssyncadd.s32 $0xFFFFE000;
	(pc) =	sbr.rel @p0 .LBB2_4-.Ltmp1, $4  }
0x79: {  	[spmem:s2] =	stream.indirect.scatter.add.f32 [tilespmem:s18], [sflag:$0x3], $0x40, s26, s16, $0xb8;
	[tilespmem:$0x10600] =	vst v63  }
0x7a: {  	_ =	swait.ge [sflag:s14], $0x2000  }
0x7b: {  	[sflag:s14] =	ssyncset.done $0x0  }
0x7c: {  	s25 =	sadd.s32 $0x180, s25;
	[sflag:s14] =	ssyncadd.s32 $0xFFFFE000  }
0x7d: {  	[tilespmem:s18], [sflag:$0x2] =	stream.indirect.gather [hbm4b:s4+s16], $0x40, s25, s16, $0xb8;
	[tilespmem:$0x10600] =	vst v63  }
0x7e: {  	_ =	swait.ge [sflag:s19], $0x2000  }
0x7f: {  	[sflag:s19] =	ssyncset.done $0x0  }
0x80: {  	[sflag:s19] =	ssyncadd.s32 $0xFFFFE000  }
0x81: {  	[spmem:s2] =	stream.indirect.scatter.add.f32 [tilespmem:s17], [sflag:$0x3], $0x40, s21, s16, $0xb8;
	[tilespmem:$0x10600] =	vst v63  }
0x82: {  	_ =	swait.ge [sflag:s14], $0x2000  }
0x83: {  	[sflag:s14] =	ssyncset.done $0x0  }
0x84: {  	[sflag:s14] =	ssyncadd.s32 $0xFFFFE000  }
0x85: {  	_ =	swait.ge [sflag:s20], $0x2000  }
0x86: {  	[sflag:s20] =	ssyncset.done $0x0  }
0x87: {  	[sflag:s20] =	ssyncadd.s32 $0xFFFFE000  }
0x88: {  	[spmem:s2] =	stream.indirect.scatter.add.f32 [tilespmem:s18], [sflag:$0x3], $0x40, s22, s16, $0xb8;
	[tilespmem:$0x10600] =	vst v63  }
0x89: {  	_ =	swait.ge [sflag:s14], $0x2000  }
0x8a: {  	s23 =	sadd.s32 $0x1, s23;
	[sflag:s14] =	ssyncset.done $0x0  }
0x8b: {  	p0 =	sne.s32 s23, s12;
	[sflag:s14] =	ssyncadd.s32 $0xFFFFE000  }
.Ltmp2:
0x8c: {  	[bflag:$0x0] =	sbarrier.arrive $0xFFFF;
	(pc) =	sbr.rel @p0 .LBB2_1-.Ltmp2, $4  }
0x8d: {  	[hbm:s11], [sflag:s6] =	dma.local [spmem:s13], $0x13C0  }
0x8e: {  	_ =	swait.ge [sflag:s14], $0x13C0  }
0x8f: {  	[sflag:s14] =	ssyncset.done $0x0  }
0x90: {  	[sflag:s14] =	ssyncadd.s32 $0xFFFFEC40  }
0x91: {  	_ =	sfence.sel $0x180000  }
0x92: {  	[bflag:$0x0] =	sbarrier.arrive $0xFFFF  }
0x93: {  	p0 =	sne.s32 s1, $0x0;
	_ =	strace $0x9000004D  }
0x94: {  	s0 =	sadd.s32 @!p0 $0x100000, s0;
	[bflag:$0x2] =	sbarrier.arrive $0xFFFF  }
0x95: {  	[sflag:s0] =	ssyncadd.tile.s32 @!p0 $0x1;
	_ =	shalt  }
.Lfunc_end2:
_tile_overlayer_lowered:
.L_overlay_start_2:
0x96: {  	(tag) =	ssettag $0x2  }
0x97: {  	s0 =	rddreg [dreg:$0x0];
	s2 =	stileid.u32  }
0x98: {  	s1 =	rddreg [dreg:$0x1];
	p0 =	sne.s32 s2, $0x0  }
0x99: {  	s3 =	rddreg [dreg:$0x2];
	[bflag:$0x3] =	sbarrier.arrive $0xFFFF;
	s2 =	simm.s32 @!p0 $0x1C03  }
0x9a: {  	[timem:s3], [sflag:s2] =	dma.local @!p0 [hbm:s0], s1  }
0x9b: {  	s0 =	simm.s32 @!p0 $0x3  }
0x9c: {  	_ =	swait.ge @!p0 [sflag:s0], s1  }
0x9d: {  	s1 =	ssub.s32 @!p0 $0x0, s1;
	[sflag:s0] =	ssyncset.done @!p0 $0x0  }
0x9e: {  	[sflag:s0] =	ssyncadd.s32 @!p0 s1  }
0x9f: {  	[bflag:$0x3] =	sbarrier.arrive $0xFFFF  }
0xa0: {  	_ =	shalt  }

// kernel: kernel.8.cloned.1.call-start
scs
__scs_entry_jumppad:
0x0: {  	(pc) =	sbr.rel $0x88, $3  }
0x1: {  	(tag) =	ssettag $0x0;
	lr =	simm.s32 $0x1  }
0x2: {  	[smem:$0x3F99] =	sst lr;
	_ =	strace $0xD0000000  }
0x3: {  	_ = 	snop  }
0x4: {  	_ = 	snop  }
0x5: {  	_ = 	snop  }
0x6: {  	_ = 	snop  }
0x7: {  	_ = 	snop  }
__scs_overlays_trampoline_lowered:
0x8: {  	[smem:$0x3FA8] =	sst s0  }
0x9: {  	[smem:$0x3FA9] =	sst s1  }
0xa: {  	[smem:$0x3FAA] =	sst s2  }
0xb: {  	[smem:$0x3FAB] =	sst s3  }
0xc: {  	[smem:$0x3FAC] =	sst s4  }
0xd: {  	[smem:$0x3FAD] =	sst s5  }
0xe: {  	[smem:$0x3FAE] =	sst s6  }
0xf: {  	[smem:$0x3FAF] =	sst s7  }
0x10: {  	[smem:$0x3FB0] =	sst s8  }
0x11: {  	[smem:$0x3FB1] =	sst s9;
	s0 =	simm.s32 @!p0 $0x0  }
0x12: {  	s1 =	sld [smem:$0x3F97];
	s0 =	simm.s32 @p0 $0x1  }
0x13: {  	[smem:$0x3FB2] =	sst s0;
	s0 =	simm.s32 @!p1 $0x0  }
0x14: {  	s2 =	sld [smem:$0x3F96];
	s0 =	simm.s32 @p1 $0x1  }
0x15: {  	[smem:$0x3FB3] =	sst s0;
	s0 =	simm.s32 @!p2 $0x0  }
0x16: {  	s3 =	sld [smem:$0x3FDB];
	s0 =	simm.s32 @p2 $0x1  }
0x17: {  	s4 =	simm.s32 $0x1BF5;
	[smem:$0x3FB5] =	sst s0  }
0x18: {  	s0 =	sld [smem:$0x3F98];
	_ =	swait.ge [sflag:s4], $0x0  }
0x19: {  	s7 =	sld [smem:$0x3F99]  }
0x1a: {  	s8 =	sadd.s32 $0xFFFFE003, lr  }
0x1b: {  	s9 =	sadd.s32 $0xFFFFFEF7, lr;
	s5 =	simm.s32 $0xFFFFFFFF;
	p2 =	slt.u32 s8, $0xFFFFF086  }
0x1c: {  	p1 =	slt.u32 s9, $0xF7A;
	s5 =	simm.s32 @!p2 $0x0  }
0x1d: {  	s5 =	simm.s32 @p1 $0x1;
	p0 =	seq.s32 s7, s2  }
0x1e: {  	s7 =	smul.u32 @!p0 $0xF7A, s2;
	p2 =	seq.s32 @!p0 s5, $0x0  }
0x1f: {  	s9 =	smul.u32 $0xF7A, s1;
	s8 =	simm.s32 @!p0 $0x1BF5;
	p2 =	por !p2, p0  }
0x20: {  	[sflag:s8] =	ssyncset.s32 @!p0 $0xFFFFF086;
	s6 =	sadd.s32 @!p0 s3, s7;
	s7 =	simm.s32 @!p0 $0x108  }
0x21: {  	s3 =	sadd.s32 s3, s9;
	s6 =	sadd.s32 @!p0 $0x88, s6;
	s7 =	simm.s32 @p2 $0x1082  }
0x22: {  	[simem:s7], [sflag:s8] =	dma.local @!p0 [hbm:s6], $0xF7A  }
0x23: {  	s9 =	sor.u32 $0xD0000000, s2;
	s6 =	simm.s32 $0x108;
	_ =	swait.ge @!p0 [sflag:s8], $0x0  }
0x24: {  	s3 =	sadd.s32 $0x88, s3;
	s6 =	simm.s32 @!p1 $0x1082;
	[sflag:s4] =	ssyncset.s32 $0xFFFFF086  }
0x25: {  	[simem:s6], [sflag:s4] =	dma.local [hbm:s3], $0xF7A  }
0x26: {  	[smem:$0x3F99] =	sst s1;
	(tag) =	ssettag s2;
	_ =	strace s9  }
0x27: {  	s1 =	sld [smem:$0x3FA9]  }
0x28: {  	s2 =	sld [smem:$0x3FAA]  }
0x29: {  	s4 =	sld [smem:$0x3FAC]  }
0x2a: {  	p0 =	seq.s32 s5, $0x0;
	s5 =	sld [smem:$0x3FAD]  }
0x2b: {  	s6 =	sld [smem:$0x3FAE]  }
0x2c: {  	s7 =	sld [smem:$0x3FAF]  }
0x2d: {  	s3 =	simm.s32 $0x108;
	s8 =	sld [smem:$0x3FB0]  }
0x2e: {  	s3 =	simm.s32 @!p0 $0x1082;
	s9 =	sld [smem:$0x3FB1]  }
0x2f: {  	lr =	sadd.s32 s0, s3;
	s0 =	sld [smem:$0x3FA8]  }
0x30: {  	s3 =	sld [smem:$0x3FAB]  }
0x31: {  	[smem:$0x3FB4] =	sst s10  }
0x32: {  	s10 =	sld [smem:$0x3FB2];
	_ =	sdelay $0x3  }
0x33: {  	p0 =	seq.s32 s10, $0x1;
	s10 =	sld [smem:$0x3FB4];
	_ =	sdelay $0x3  }
0x34: {  	[smem:$0x3FB4] =	sst s10  }
0x35: {  	s10 =	sld [smem:$0x3FB3];
	_ =	sdelay $0x3  }
0x36: {  	p1 =	seq.s32 s10, $0x1;
	s10 =	sld [smem:$0x3FB4];
	_ =	sdelay $0x3  }
0x37: {  	[smem:$0x3FB4] =	sst s10  }
0x38: {  	s10 =	sld [smem:$0x3FB5]  }
0x39: {  	_ = 	snop;
	(pc) =	sbr.ind lr, $3  }
0x3a: {  	_ = 	snop  }
0x3b: {  	_ = 	snop  }
0x3c: {  	p2 =	seq.s32 s10, $0x1;
	s10 =	sld [smem:$0x3FB4]  }
0x3d: {  	_ =	shalt  }
0x3e: {  	_ =	shalt  }
0x3f: {  	_ =	shalt  }
0x40: {  	_ =	shalt  }
0x41: {  	_ =	shalt  }
0x42: {  	_ =	shalt  }
0x43: {  	_ =	shalt  }
0x44: {  	_ =	shalt  }
0x45: {  	_ =	shalt  }
0x46: {  	_ =	shalt  }
0x47: {  	_ =	shalt  }
0x48: {  	_ =	shalt  }
0x49: {  	_ =	shalt  }
0x4a: {  	_ =	shalt  }
0x4b: {  	_ =	shalt  }
0x4c: {  	_ =	shalt  }
0x4d: {  	_ =	shalt  }
0x4e: {  	_ =	shalt  }
0x4f: {  	_ =	shalt  }
0x50: {  	_ =	shalt  }
0x51: {  	_ =	shalt  }
0x52: {  	_ =	shalt  }
0x53: {  	_ =	shalt  }
0x54: {  	_ =	shalt  }
0x55: {  	_ =	shalt  }
0x56: {  	_ =	shalt  }
0x57: {  	_ =	shalt  }
0x58: {  	_ =	shalt  }
0x59: {  	_ =	shalt  }
0x5a: {  	_ =	shalt  }
0x5b: {  	_ =	shalt  }
0x5c: {  	_ =	shalt  }
0x5d: {  	_ =	shalt  }
0x5e: {  	_ =	shalt  }
0x5f: {  	_ =	shalt  }
0x60: {  	_ =	shalt  }
0x61: {  	_ =	shalt  }
0x62: {  	_ =	shalt  }
0x63: {  	_ =	shalt  }
0x64: {  	_ =	shalt  }
0x65: {  	_ =	shalt  }
0x66: {  	_ =	shalt  }
0x67: {  	_ =	shalt  }
0x68: {  	_ =	shalt  }
0x69: {  	_ =	shalt  }
0x6a: {  	_ =	shalt  }
0x6b: {  	_ =	shalt  }
0x6c: {  	_ =	shalt  }
0x6d: {  	_ =	shalt  }
0x6e: {  	_ =	shalt  }
0x6f: {  	_ =	shalt  }
0x70: {  	_ =	shalt  }
0x71: {  	_ =	shalt  }
0x72: {  	_ =	shalt  }
0x73: {  	_ =	shalt  }
0x74: {  	_ =	shalt  }
0x75: {  	_ =	shalt  }
0x76: {  	_ =	shalt  }
0x77: {  	_ =	shalt  }
0x78: {  	_ =	shalt  }
0x79: {  	_ =	shalt  }
0x7a: {  	_ =	shalt  }
0x7b: {  	_ =	shalt  }
0x7c: {  	_ =	shalt  }
0x7d: {  	_ =	shalt  }
0x7e: {  	_ =	shalt  }
0x7f: {  	_ =	shalt  }
0x80: {  	_ =	shalt  }
0x81: {  	_ =	shalt  }
0x82: {  	_ =	shalt  }
0x83: {  	_ =	shalt  }
0x84: {  	_ =	shalt  }
0x85: {  	_ =	shalt  }
0x86: {  	_ =	shalt  }
0x87: {  	_ =	shalt  }
.Lfunc_end0:
.L_simem_size_0:
called_computation_lowered:
.L_overlay_start_0:
0x88: {  	s2 =	sld [smem:$0x3FD9]  }
0x89: {  	s3 =	sld [smem:$0x3FFE];
	_ =	sdelay $0x1  }
0x8a: {  	s1 =	srdreg.scid  }
0x8b: {  	s0 =	sand.u32 $0x1, s1  }
0x8c: {  	s16 =	sshll.u32 s0, $0xA;
	s2 =	sadd.s32 s3, s2  }
0x8d: {  	s2 =	sadd.s32 s2, s16  }
0x8e: {  	[smem:$0x3FC0] =	sst s2  }
0x8f: {  	_ = 	snop  }
0x90: {  	(tm) =	ssettm $0x1  }
0x91: {  	s17 =	sld [smem:$0x3FFB];
	_ =	sdelay $0x3  }
0x92: {  	_ =	strace s17  }
0x93: {  	s2 =	sld [smem:$0x3FFC];
	_ =	sdelay $0x3  }
0x94: {  	_ =	strace s2  }
0x95: {  	s2 =	sld [smem:$0x3FFD];
	_ =	sdelay $0x3  }
0x96: {  	_ =	strace s2  }
0x97: {  	_ =	strace $0x8FFFFFFF  }
0x98: {  	s18 =	sld [smem:$0x3FDB];
	_ =	sdelay $0x1  }
0x99: {  	s19 =	simm.s32 $_scs_section_size  }
0x9a: {  	s4 =	simm.s32 $_size__tile_overlayer_lowered;
	s5 =	simm.s32 $_tile_overlayer_lowered  }
0x9b: {  	s22 =	simm.s32 $0x1BFF;
	s21 =	sshll.u32 s5, $0x1;
	s2 =	sadd.s32 s19, s18  }
0x9c: {  	s6 =	simm.s32 $0x0;
	s20 =	sshll.u32 s4, $0x1;
	s4 =	sadd.s32 s21, s2  }
0x9d: {  	[timem:s6], [sflag:s22] =	dma.local [hbm:s4], s20  }
0x9e: {  	_ =	swait.ge [sflag:s22], s20  }
0x9f: {  	s3 =	ssub.s32 $0x0, s20;
	[sflag:s22] =	ssyncset.done $0x0  }
0xa0: {  	[sflag:s22] =	ssyncadd.s32 s3;
	_ =	sdelay $0x1  }
0xa1: {  	s23 =	simm.s32 $0x1B8B  }
0xa2: {  	_ =	swait.ge [sflag:s23], $0x1  }
0xa3: {  	[sflag:s23] =	ssyncset.done $0x0  }
0xa4: {  	s25 =	simm.s32 $0x1B8E;
	s24 =	sld [smem:$0x3FFE];
	[sflag:s23] =	ssyncadd.s32 $0xFFFFFFFF  }
0xa5: {  	s26 =	simm.s32 $execute0_lowered;
	[smem:$0x3FD2] =	sst s25  }
0xa6: {  	s4 =	sshll.u32 s26, $0x1;
	_ =	strace $0x80000046;
	[dreg:$0x1] =	wrdreg $0xFFFFFFFF  }
0xa7: {  	s28 =	simm.s32 $_size_execute0_lowered;
	s2 =	sadd.s32 s2, s4;
	[dreg:$0x0] =	wrdreg $0x0  }
0xa8: {  	s4 =	sshll.u32 s28, $0x1;
	[dreg:$0x2] =	wrdreg s2  }
0xa9: {  	[dreg:$0x3] =	wrdreg s4  }
0xaa: {  	[dreg:$0x4] =	wrdreg $0xC0  }
0xab: {  	_ =	task [dreg:s6], $0x5FFFF  }
0xac: {  	[dreg:$0x1] =	wrdreg $0xFFFFFFFF  }
0xad: {  	[dreg:$0x0] =	wrdreg $0x60  }
0xae: {  	[dreg:$0x2] =	wrdreg s24  }
0xaf: {  	[dreg:$0x3] =	wrdreg $0x9  }
0xb0: {  	_ =	task.clear_ibuf [dreg:s6], $0x4FFFF;
	_ =	strace $0x90000046  }
0xb1: {  	s29 =	simm.s32 $0x9;
	_ =	strace $0x80000048  }
0xb2: {  	_ =	swait.ge [sflag:s29], $0x1  }
0xb3: {  	[sflag:s29] =	ssyncadd.s32 $0xFFFFFFFF  }
0xb4: {  	_ =	strace $0x90000048  }
0xb5: {  	_ =	sfence  }
0xb6: {  	s30 =	sld [smem:$0x0];
	_ =	sdelay $0x2  }
0xb7: {  	s31 =	sshll.u32 s1, $0xD;
	s1 =	sshrl.u32 s1, $0x2  }
0xb8: {  	s3 =	sand.u32 $0x4000, s31;
	s1 =	sadd.s32 s1, s30  }
0xb9: {  	s0 =	sor.u32 s3, s0;
	s1 =	sshll.u32 s1, $0x11  }
0xba: {  	s0 =	sor.u32 s1, s0  }
0xbb: {  	s0 =	sadd.s32 $0x8F2B, s0  }
0xbc: {  	[sflag:s0] =	ssyncadd.remote.s32 $0x1  }
0xbd: {  	_ =	sfence.sel $0xFFFF  }
0xbe: {  	[dreg:$0x0] =	wrdreg $0xFFFFFFFF;
	(pc) =	sbr.abs _section_cstart, $3  }
0xbf: {  	[dreg:$0x1] =	wrdreg $0xFFFFFFFF  }
0xc0: {  	_ =	task.clear_ibuf [dreg:s6], $0x2FFFF;
	_ =	strace $0x9FFFFFFF  }
0xc1: {  	(tm) =	ssettm $0x7FFFFFFF  }
tec
execute0_lowered:
.L_overlay_start_1:
0x0: {  	(tag) =	ssettag $0x1  }
0x1: {  	s0 =	srdreg.scid  }
0x2: {  	s3 =	sand.u32 $0x1, s0  }
0x3: {  	s0 =	stileid.u32;
	s4 =	smul.u32 $0x28000, s3  }
0x4: {  	s5 =	rddreg [dreg:$0x0];
	s6 =	smul.u32 $0x2800, s0  }
0x5: {  	s1 =	rddreg [dreg:$0x1];
	s2 =	simm.s32 $0x0;
	s7 =	smul.u32 $0x27800, s3  }
0x6: {  	[smem:$0x7FF] =	sst s2;
	s8 =	smul.u32 $0x2780, s0;
	s3 =	ssub.s32 $0x2, s3  }
0x7: {  	_ =	strace $0x80000047;
	s30 =	sshrl.u32 s3, $0x1;
	s4 =	sadd.s32 s6, s4  }
0x8: {  	s29 =	sadd.s32 s8, s7;
	s31 =	ssub.s32 s3, s30;
	s7 =	simm.s32 $0x2800  }
0x9: {  	s8 =	simm.s32 $0x0;
	s4 =	sshrl.u32 s4, $0x3;
	s6 =	sshrl.u32 s29, $0x3  }
0xa: {  	s4 =	sadd.s32 s4, s5;
	s5 =	sadd.s32 s6, s5;
	s6 =	simm.s32 $0x1  }
0xb: {  	v0 =	vimm.f32 $0.0e+00;
	v1 =	vimm.f32 $1.000000000e+00;
	s3 =	sadd.s32 $0xBC00, s4;
	s4 =	sadd.s32 $0x15C00, s5;
	s5 =	smax.u32 s31, $0x1  }
.LBB2_1:
0xc: {  	[tilespmem:s2], [sflag:$0x1] =	stream.linear.gather [hbm4b:s3+s2], $0x2800, $0x38;
	[tilespmem:$0x4F80] =	vst v63  }
0xd: {  	_ =	swait.ge [sflag:s6], $0x2800  }
0xe: {  	[sflag:s6] =	ssyncset.done $0x0  }
0xf: {  	s9 =	simm.s32 $0x0;
	[sflag:s6] =	ssyncadd.s32 $0xFFFFD800  }
.LBB2_2:
0x10: {  	p0 =	sne.s32 s9, $0x9DC0  }
.Ltmp0:
0x11: {  	_ = 	snop;
	(pc) =	sbr.rel @p0 .LBB2_2-.Ltmp0, $3  }
0x12: {  	_ =	sdelay $0x1  }
0x13: {  	s10 =	sshra.s32 s9, $0x2  }
0x14: {  	s9 =	sadd.s32 $0x40, s9;
	[tilespmem:s10+$0x2800] =	vst v0  }
0x15: {  	s10 =	simm.s32 $0x0;
	s9 =	simm.s32 $0x40  }
.LBB2_4:
0x16: {  	p0 =	sne.s32 s9, $0x9FC0;
	v2 =	vld [tilespmem:s10+$0x0];
	_ =	sdelay $0x3  }
.Ltmp1:
0x17: {  	(pc) =	sbr.rel @p0 .LBB2_4-.Ltmp1, $2  }
0x18: {  	_ =	sdelay $0x2  }
0x19: {  	s10 =	sshra.s32 s9, $0x2;
	s9 =	sadd.s32 $0x40, s9;
	[tilespmem:v2+s7+$0x0] =	vst.idx.add.f32.msk $0xffff, v1  }
0x1a: {  	v2 =	vld [tilespmem:s10+$0x0];
	_ =	sdelay $0x5  }
0x1b: {  	s8 =	sadd.s32 $0x1, s8  }
0x1c: {  	p0 =	sne.s32 s8, s5  }
.Ltmp2:
0x1d: {  	[tilespmem:v2+s7+$0x0] =	vst.idx.add.f32.msk $0xffff, v1;
	(pc) =	sbr.rel @p0 .LBB2_1-.Ltmp2, $4  }
0x1e: {  	[hbm4b:s4+s2] =	stream.linear.scatter [tilespmem:s7], [sflag:$0x1], $0x2780, $0x38;
	[tilespmem:$0x4F80] =	vst v63  }
0x1f: {  	_ =	swait.ge [sflag:s6], $0x2780  }
0x20: {  	[sflag:s6] =	ssyncset.done $0x0  }
0x21: {  	[sflag:s6] =	ssyncadd.s32 $0xFFFFD880  }
0x22: {  	_ =	sfence.sel $0x180000  }
0x23: {  	[bflag:$0x0] =	sbarrier.arrive $0xFFFF  }
0x24: {  	p0 =	sne.s32 s0, $0x0;
	_ =	strace $0x90000047  }
0x25: {  	s0 =	sadd.s32 @!p0 $0x100000, s1;
	[bflag:$0x2] =	sbarrier.arrive $0xFFFF  }
0x26: {  	[sflag:s0] =	ssyncadd.tile.s32 @!p0 $0x1;
	_ =	shalt  }
.Lfunc_end2:
_tile_overlayer_lowered:
.L_overlay_start_2:
0x27: {  	(tag) =	ssettag $0x2  }
0x28: {  	s0 =	rddreg [dreg:$0x0];
	s2 =	stileid.u32  }
0x29: {  	s1 =	rddreg [dreg:$0x1];
	p0 =	sne.s32 s2, $0x0  }
0x2a: {  	s3 =	rddreg [dreg:$0x2];
	[bflag:$0x3] =	sbarrier.arrive $0xFFFF;
	s2 =	simm.s32 @!p0 $0x1C01  }
0x2b: {  	[timem:s3], [sflag:s2] =	dma.local @!p0 [hbm:s0], s1  }
0x2c: {  	s0 =	simm.s32 @!p0 $0x1  }
0x2d: {  	_ =	swait.ge @!p0 [sflag:s0], s1  }
0x2e: {  	s1 =	ssub.s32 @!p0 $0x0, s1;
	[sflag:s0] =	ssyncset.done @!p0 $0x0  }
0x2f: {  	[sflag:s0] =	ssyncadd.s32 @!p0 s1  }
0x30: {  	[bflag:$0x3] =	sbarrier.arrive $0xFFFF  }
0x31: {  	_ =	shalt  }

</sc_bundles>
